<compile_context>
chip_gen: v7x
topology: tpu7x:2x2x1
jax: 0.10.2.dev20260603
libtpu: 0.0.44.dev20260713+nightly
codegen_flags: <defaults>
</compile_context>

<pallas_src>
import numpy as np
import jax
import jax.numpy as jnp
from jax import lax
from jax.experimental import pallas as pl
from jax.experimental.pallas import tpu as pltpu
from jax.experimental.pallas import tpu_sc as plsc

_N_LEVELS = 16
_LOG2_T = 19
_T = 1 << _LOG2_T
_PRIME1 = np.uint32(2654435761)
_PRIME2 = np.uint32(805459861)
_MASK = np.uint32(_T - 1)
_B_SCALE = np.exp(np.log(2048 / 16) / (_N_LEVELS - 1))
_RES = [int(np.floor(16 * (_B_SCALE ** l))) for l in range(_N_LEVELS)]

_NC, _NS = 2, 16
_NW = _NC * _NS
_P = 2 * 256 * 256
_PPW = _P // _NW
_C = 512
_NCHUNK = _PPW // _C
_NVR = _C // 16
_ROWS = 8 * _C
_E = 2 * _ROWS


def _sc_encode_body(coords, table, lvlconst, enc, xyz, wbuf, idxbuf, rows,
                    encb, cbuf, sem0, sem1):
    cid = lax.axis_index("c")
    sid = lax.axis_index("s")
    wid = sid * _NC + cid
    base = wid * _PPW
    sems = (sem0, sem1)
    pltpu.sync_copy(lvlconst, cbuf)

    def chunk_body(ci, carry):
        cbase = base + ci * _C
        for d in range(3):
            pltpu.sync_copy(coords.at[pl.ds(d * _P + cbase, _C)],
                            xyz.at[pl.ds(d * _C, _C)])

        def gen(l, p):
            resv = plsc.bitcast(cbuf[pl.ds(l * 16, 16)], jnp.float32)
            eoffv = cbuf[pl.ds(16 * _N_LEVELS + l * 16, 16)]

            def gen_body(j, c2):
                s = j * 16
                x = xyz[pl.ds(s, 16)]
                y = xyz[pl.ds(_C + s, 16)]
                z = xyz[pl.ds(2 * _C + s, 16)]
                px = x * resv
                py = y * resv
                pz = z * resv
                ix = px.astype(jnp.int32)
                iy = py.astype(jnp.int32)
                iz = pz.astype(jnp.int32)
                wbuf[pl.ds(p * 3 * _C + s, 16)] = px - ix.astype(jnp.float32)
                wbuf[pl.ds(p * 3 * _C + _C + s, 16)] = (
                    py - iy.astype(jnp.float32))
                wbuf[pl.ds(p * 3 * _C + 2 * _C + s, 16)] = (
                    pz - iz.astype(jnp.float32))
                a0 = plsc.bitcast(ix, jnp.uint32)
                b0 = plsc.bitcast(iy, jnp.uint32) * _PRIME1
                c0 = plsc.bitcast(iz, jnp.uint32) * _PRIME2
                a1 = a0 + np.uint32(1)
                b1 = b0 + _PRIME1
                c1 = c0 + _PRIME2
                ab = [a0 ^ b0, a0 ^ b1, a1 ^ b0, a1 ^ b1]
                pos = (lax.iota(jnp.int32, 16) + s) * 2 + (p * _E)
                for c in range(8):
                    cx = (c >> 2) & 1
                    cy = (c >> 1) & 1
                    cz = c & 1
                    h = ab[cx * 2 + cy] ^ (c1 if cz else c0)
                    e0 = ((h & _MASK).astype(jnp.int32) << 1) + eoffv
                    pc = pos + (c * 2 * _C)
                    plsc.store_scatter(idxbuf, [pc], e0)
                    plsc.store_scatter(idxbuf, [pc + 1], e0 + 1)
                return c2

            lax.fori_loop(0, _NVR, gen_body, 0)

        def fire(p):
            return pltpu.async_copy(
                table.at[idxbuf.at[pl.ds(p * _E, _E)]],
                rows.at[pl.ds(p * _E, _E)], sems[p])

        def accum(l, p):
            def acc_body(j, c2):
                s = j * 16
                wx = wbuf[pl.ds(p * 3 * _C + s, 16)]
                wy = wbuf[pl.ds(p * 3 * _C + _C + s, 16)]
                wz = wbuf[pl.ds(p * 3 * _C + 2 * _C + s, 16)]
                ux = 1.0 - wx
                uy = 1.0 - wy
                uz = 1.0 - wz
                wxy = [ux * uy, ux * wy, wx * uy, wx * wy]
                acc0 = jnp.zeros((16,), jnp.float32)
                acc1 = jnp.zeros((16,), jnp.float32)
                for c in range(8):
                    cx = (c >> 2) & 1
                    cy = (c >> 1) & 1
                    cz = c & 1
                    wc = wxy[cx * 2 + cy] * (wz if cz else uz)
                    g = (lax.iota(jnp.int32, 16) + s) * 2 + (
                        p * _E + c * 2 * _C)
                    f0 = plsc.load_gather(rows, [g])
                    f1 = plsc.load_gather(rows, [g + 1])
                    acc0 = acc0 + f0 * wc
                    acc1 = acc1 + f1 * wc
                encb[pl.ds(l * 2 * _C + s, 16)] = acc0
                encb[pl.ds(l * 2 * _C + _C + s, 16)] = acc1
                return c2

            lax.fori_loop(0, _NVR, acc_body, 0)

        def pair_body(t, carry2):
            l0 = t * 2
            gen(l0, 0)
            cp0 = fire(0)
            gen(l0 + 1, 1)
            cp1 = fire(1)
            cp0.wait()
            accum(l0, 0)
            cp1.wait()
            accum(l0 + 1, 1)
            return carry2

        lax.fori_loop(0, _N_LEVELS // 2, pair_body, 0)

        def out_body(f, c2):
            pltpu.sync_copy(encb.at[pl.ds(f * _C, _C)],
                            enc.at[pl.ds(f * _P + cbase, _C)])
            return c2

        lax.fori_loop(0, 2 * _N_LEVELS, out_body, 0)
        return carry

    lax.fori_loop(0, _NCHUNK, chunk_body, 0)


def _sc_encode(coords, table_flat, lvlconst):
    mesh = plsc.VectorSubcoreMesh(
        core_axis_name="c", subcore_axis_name="s",
        num_cores=_NC, num_subcores=_NS)
    return pl.kernel(
        _sc_encode_body,
        out_type=jax.ShapeDtypeStruct((2 * _N_LEVELS * _P,), jnp.float32),
        mesh=mesh,
        scratch_types=[
            pltpu.VMEM((3 * _C,), jnp.float32),
            pltpu.VMEM((2 * 3 * _C,), jnp.float32),
            pltpu.VMEM((2 * _E,), jnp.int32),
            pltpu.VMEM((2 * _E,), jnp.float32),
            pltpu.VMEM((2 * _N_LEVELS * _C,), jnp.float32),
            pltpu.VMEM((2 * 16 * _N_LEVELS,), jnp.int32),
            pltpu.SemaphoreType.DMA,
            pltpu.SemaphoreType.DMA,
        ],
        compiler_params=pltpu.CompilerParams(
            needs_layout_passes=False, use_tc_tiling_on_sc=False),
    )(coords, table_flat, lvlconst)


def _expert_body(x_ref, cw_ref, f1w_ref, f1b_ref, f2w_ref, f2b_ref, o_ref):
    x = x_ref[0]
    m = jnp.dot(x, cw_ref[...], preferred_element_type=jnp.float32)
    m = jnp.maximum(m, 0.0)
    s = jnp.mean(m, axis=0, keepdims=True)
    h = jnp.dot(s, f1w_ref[...], preferred_element_type=jnp.float32)
    h = h + f1b_ref[...]
    h = h * jnp.clip(h + 3.0, 0.0, 6.0) / 6.0
    o = jnp.dot(h, f2w_ref[...], preferred_element_type=jnp.float32)
    o_ref[0] = o + f2b_ref[...]


_BLK = 8192
_NBLK = (_P // 2) // _BLK


def _mlp_body(x_ref, w1_ref, w2e_ref, o_ref):
    x = x_ref[...]
    h = lax.dot_general(x, w1_ref[...], (((0,), (0,)), ((), ())),
                        preferred_element_type=jnp.float32)
    h = jnp.maximum(h, 0.0)
    o_ref[0] = jnp.dot(h, w2e_ref[0], preferred_element_type=jnp.float32)


def kernel(img, img_org, tables, W1, W2, conv_W, fc1_W, fc1_b, fc2_W, fc2_b):
    B, H, W_, _ = img_org.shape
    P = B * H * W_

    coords = jnp.transpose(img_org.reshape(P, 3)).reshape(3 * P)
    table_flat = tables.reshape(_N_LEVELS * _T * 2)
    res_bits = np.repeat(np.array(_RES, np.float32).view(np.int32), 16)
    eoffs = np.repeat((np.arange(_N_LEVELS) * 2 * _T).astype(np.int32), 16)
    lvlconst = jnp.asarray(np.concatenate([res_bits, eoffs]))
    enc = _sc_encode(coords, table_flat, lvlconst).reshape(2 * _N_LEVELS, P)

    imgp = jnp.pad(img, ((0, 0), (0, 0), (0, 1), (0, 1)))
    taps = [imgp[:, :, kh:kh + 224:2, kw:kw + 224:2]
            for kh in range(3) for kw in range(3)]
    patches = jnp.stack(taps, axis=2).reshape(B, 27, 12544)
    patches = jnp.transpose(patches, (0, 2, 1))
    cw = jnp.transpose(conv_W.reshape(64, 27))

    weights = pl.pallas_call(
        _expert_body,
        grid=(B,),
        in_specs=[
            pl.BlockSpec((1, 12544, 27), lambda b: (b, 0, 0)),
            pl.BlockSpec((27, 64), lambda b: (0, 0)),
            pl.BlockSpec((64, 64), lambda b: (0, 0)),
            pl.BlockSpec((1, 64), lambda b: (0, 0)),
            pl.BlockSpec((64, _N_LEVELS), lambda b: (0, 0)),
            pl.BlockSpec((1, _N_LEVELS), lambda b: (0, 0)),
        ],
        out_specs=pl.BlockSpec((1, 1, _N_LEVELS), lambda b: (b, 0, 0)),
        out_shape=jax.ShapeDtypeStruct((B, 1, _N_LEVELS), jnp.float32),
    )(patches, cw, fc1_W, fc1_b.reshape(1, 64), fc2_W,
      fc2_b.reshape(1, _N_LEVELS))
    weights = weights.reshape(B, _N_LEVELS)

    w2e = jnp.einsum("bl,klf->bkf", weights,
                     W2.reshape(2 * _N_LEVELS, _N_LEVELS, 3))

    mid = pl.pallas_call(
        _mlp_body,
        grid=(B, _NBLK),
        in_specs=[
            pl.BlockSpec((2 * _N_LEVELS, _BLK),
                         lambda b, k: (0, b * _NBLK + k)),
            pl.BlockSpec((2 * _N_LEVELS, 2 * _N_LEVELS), lambda b, k: (0, 0)),
            pl.BlockSpec((1, 2 * _N_LEVELS, 3), lambda b, k: (b, 0, 0)),
        ],
        out_specs=pl.BlockSpec((1, _BLK, 3), lambda b, k: (b, k, 0)),
        out_shape=jax.ShapeDtypeStruct((B, H * W_, 3), jnp.float32),
    )(enc, W1, w2e)

    return mid.reshape(B, H, W_, 3)

# --- scband reference (transcript-rebuilt; emitter-appended) ---
"""Pipeline reference for scband-hash-lut-66563403154028 (READ-ONLY COPY).

The authoritative reference and input builder live on the scoring server;
editing this copy changes nothing except your own understanding.
"""

import jax, jax.numpy as jnp
import numpy as np

N_LEVELS = 16
LOG2_T = 19
T = 1 << LOG2_T
F = 2
D_MIN = 16
D_MAX = 2048
B_SCALE = np.exp(np.log(D_MAX / D_MIN) / (N_LEVELS - 1))
RES = [int(np.floor(D_MIN * (B_SCALE ** l))) for l in range(N_LEVELS)]
PRIMES = np.array([1, 2654435761, 805459861], dtype=np.uint32)


def setup_inputs(seed: int = 0) -> dict:
    key = jax.random.key(seed)
    ks = jax.random.split(key, 10)
    B, H, W = 2, 256, 256
    img = jax.random.uniform(ks[0], (B, 3, 224, 224), dtype=jnp.float32)
    img_org = jax.random.uniform(ks[1], (B, H, W, 3), dtype=jnp.float32)
    tables = jax.random.uniform(ks[2], (N_LEVELS, T, F), minval=-1e-4, maxval=1e-4, dtype=jnp.float32)
    W1 = jax.random.normal(ks[3], (N_LEVELS * F, 32), dtype=jnp.float32) / np.sqrt(N_LEVELS * F)
    W2 = jax.random.normal(ks[4], (32, N_LEVELS * 3), dtype=jnp.float32) / np.sqrt(32)
    conv_W = jax.random.normal(ks[5], (64, 3, 3, 3), dtype=jnp.float32) / np.sqrt(27)
    fc1_W = jax.random.normal(ks[6], (64, 64), dtype=jnp.float32) / 8.0
    fc1_b = jnp.zeros((64,), dtype=jnp.float32)
    fc2_W = jax.random.normal(ks[7], (64, N_LEVELS), dtype=jnp.float32) / 8.0
    fc2_b = jnp.zeros((N_LEVELS,), dtype=jnp.float32)
    return dict(img=img, img_org=img_org, tables=tables, W1=W1, W2=W2,
                conv_W=conv_W, fc1_W=fc1_W, fc1_b=fc1_b, fc2_W=fc2_W, fc2_b=fc2_b)


def _hash_encode(x, tables):
    # x: [P, 3] in [0, 1). Multi-resolution hash grid with trilinear interpolation (tcnn HashGrid).
    primes = jnp.asarray(PRIMES)
    mask = jnp.uint32(T - 1)
    feats = []
    for l in range(N_LEVELS):
        res = float(RES[l])
        pos = x * res
        pf = jnp.floor(pos)
        w = pos - pf
        pi = pf.astype(jnp.uint32)
        lvl = jnp.zeros((x.shape[0], F), dtype=x.dtype)
        for cx in (0, 1):
            for cy in (0, 1):
                for cz in (0, 1):
                    c = pi + jnp.asarray([cx, cy, cz], dtype=jnp.uint32)
                    h = (c[:, 0] * primes[0]) ^ (c[:, 1] * primes[1]) ^ (c[:, 2] * primes[2])
                    idx = (h & mask).astype(jnp.int32)
                    f = jnp.take(tables[l], idx, axis=0)
                    wx = w[:, 0] if cx else (1.0 - w[:, 0])
                    wy = w[:, 1] if cy else (1.0 - w[:, 1])
                    wz = w[:, 2] if cz else (1.0 - w[:, 2])
                    lvl = lvl + f * (wx * wy * wz)[:, None]
        feats.append(lvl)
    return jnp.concatenate(feats, axis=-1)


def _hardswish(x):
    return x * jnp.clip(x + 3.0, 0.0, 6.0) / 6.0


def _expert(img, conv_W, fc1_W, fc1_b, fc2_W, fc2_b):
    y = jax.lax.conv_general_dilated(img, conv_W, window_strides=(2, 2), padding='SAME',
                                     dimension_numbers=('NCHW', 'OIHW', 'NCHW'))
    y = jax.nn.relu(y)
    y = y.mean(axis=(2, 3))  # global avg pool -> [B, last_channel]
    y = _hardswish(y @ fc1_W + fc1_b)
    return y @ fc2_W + fc2_b  # [B, N_LEVELS]


def reference(img, img_org, tables, W1, W2, conv_W, fc1_W, fc1_b, fc2_W, fc2_b):
    B, H, W, _ = img_org.shape
    enc = _hash_encode(img_org.reshape(-1, 3), tables)           # [P, N*F]
    h = jax.nn.relu(enc @ W1)                                    # CutlassMLP hidden, 32 neurons
    out = h @ W2                                                 # [P, N*3], no output activation
    mid = out.reshape(B, H * W, N_LEVELS, 3)
    weights = _expert(img, conv_W, fc1_W, fc1_b, fc2_W, fc2_b).reshape(B, 1, N_LEVELS, 1)
    img_res = (mid * weights).sum(2).reshape(B, H, W, 3)
    return img_res

if __name__ == "__main__":
    import jax
    _d = setup_inputs()
    print(jax.jit(kernel)(*tuple(_d.values())))

</pallas_src>

<mosaic_0001>
#map = affine_map<(d0, d1) -> (0)>
module attributes {stable_mosaic.version = 14 : i64} {
  func.func @_sc_encode_body(%arg0: i32, %arg1: i32, %arg2: memref<393216xf32, #tpu.memory_space<hbm>>, %arg3: memref<16777216xf32, #tpu.memory_space<hbm>>, %arg4: memref<512xi32, #tpu.memory_space<hbm>>, %arg5: memref<4194304xf32, #tpu.memory_space<hbm>>, %arg6: memref<1536xf32, #tpu.memory_space<vmem>>, %arg7: memref<3072xf32, #tpu.memory_space<vmem>>, %arg8: memref<16384xi32, #tpu.memory_space<vmem>>, %arg9: memref<16384xf32, #tpu.memory_space<vmem>>, %arg10: memref<16384xf32, #tpu.memory_space<vmem>>, %arg11: memref<512xi32, #tpu.memory_space<vmem>>, %arg12: memref<!tpu.dma_semaphore, #tpu.memory_space<semaphore_mem>>, %arg13: memref<!tpu.dma_semaphore, #tpu.memory_space<semaphore_mem>>) attributes {dimension_semantics = [#tpu.dimension_semantics<core_parallel>, #tpu.dimension_semantics<subcore_parallel>], iteration_bounds = array<i64: 2, 16>, scalar_prefetch = 0 : i64, scratch_operands = 8 : i64, tpu.core_type = #tpu.core_type<sc_vector_subcore>, window_params = [{transform_indices = #map}, {transform_indices = #map}, {transform_indices = #map}, {transform_indices = #map}]} {
    %mul3A = arith.constant 2 : i32
    %mul3A_0 = arith.muli %arg1, %mul3A : i32
    %add3A = arith.addi %mul3A_0, %arg0 : i32
    %mul3A_1 = arith.constant 4096 : i32
    %mul3A_2 = arith.muli %add3A, %mul3A_1 : i32
    "tpu.region"() ({
      %run_scoped3A = tpu.sem_alloc : memref<!tpu.dma_semaphore, #tpu.memory_space<semaphore_mem>>
      tpu.enqueue_dma source(%arg4 : memref<512xi32, #tpu.memory_space<hbm>>) target(%arg11 : memref<512xi32, #tpu.memory_space<vmem>>) target_semaphore(%run_scoped3A : memref<!tpu.dma_semaphore, #tpu.memory_space<semaphore_mem>>)
      tpu.wait_dma2 semaphore(%run_scoped3A : memref<!tpu.dma_semaphore, #tpu.memory_space<semaphore_mem>>) src(%arg4 : memref<512xi32, #tpu.memory_space<hbm>>) dst(%arg11 : memref<512xi32, #tpu.memory_space<vmem>>)
      tpu.yield
    }) : () -> ()
    %scan3A = arith.constant 0 : i32
    %scan3A_3 = arith.constant 0 : i32
    %scan3A_4 = arith.constant 8 : i32
    %scan3A_5 = arith.addi %scan3A_3, %scan3A_4 : i32
    %scan3A_6 = arith.constant 1 : i32
    scf.for %scan3A_8 = %scan3A_3 to %scan3A_5 step %scan3A_6  : i32 {
      %mul3A_9 = arith.constant 512 : i32
      %mul3A_10 = arith.muli %scan3A_8, %mul3A_9 : i32
      %add3A_11 = arith.addi %mul3A_2, %mul3A_10 : i32
      %add3A_12 = arith.constant 0 : i32
      %add3A_13 = arith.addi %add3A_12, %add3A_11 : i32
      "tpu.region"() ({
        %run_scoped3A = tpu.sem_alloc : memref<!tpu.dma_semaphore, #tpu.memory_space<semaphore_mem>>
        %dma_start3A = arith.constant 0 : i32
        %dma_start3A_30 = tpu.memref_slice %arg6[%dma_start3A] : memref<1536xf32, #tpu.memory_space<vmem>> -> memref<512xf32, #tpu.memory_space<vmem>>
        %dma_start3A_31 = tpu.memref_slice %arg2[%add3A_13] : memref<393216xf32, #tpu.memory_space<hbm>> -> memref<512xf32, #tpu.memory_space<hbm>>
        %dma_start3A_32 = arith.constant 0 : i32
        %dma_start3A_33 = tpu.memref_slice %arg6[%dma_start3A_32] : memref<1536xf32, #tpu.memory_space<vmem>> -> memref<512xf32, #tpu.memory_space<vmem>>
        %dma_start3A_34 = tpu.memref_slice %arg2[%add3A_13] : memref<393216xf32, #tpu.memory_space<hbm>> -> memref<512xf32, #tpu.memory_space<hbm>>
        tpu.enqueue_dma source(%dma_start3A_34 : memref<512xf32, #tpu.memory_space<hbm>>) target(%dma_start3A_33 : memref<512xf32, #tpu.memory_space<vmem>>) target_semaphore(%run_scoped3A : memref<!tpu.dma_semaphore, #tpu.memory_space<semaphore_mem>>)
        %dma_wait3A = arith.constant 0 : i32
        %dma_wait3A_35 = tpu.memref_slice %arg6[%dma_wait3A] : memref<1536xf32, #tpu.memory_space<vmem>> -> memref<512xf32, #tpu.memory_space<vmem>>
        %dma_wait3A_36 = tpu.memref_slice %arg2[%add3A_13] : memref<393216xf32, #tpu.memory_space<hbm>> -> memref<512xf32, #tpu.memory_space<hbm>>
        %dma_wait3A_37 = arith.constant 0 : i32
        %dma_wait3A_38 = tpu.memref_slice %arg6[%dma_wait3A_37] : memref<1536xf32, #tpu.memory_space<vmem>> -> memref<512xf32, #tpu.memory_space<vmem>>
        %dma_wait3A_39 = tpu.memref_slice %arg2[%add3A_13] : memref<393216xf32, #tpu.memory_space<hbm>> -> memref<512xf32, #tpu.memory_space<hbm>>
        tpu.wait_dma2 semaphore(%run_scoped3A : memref<!tpu.dma_semaphore, #tpu.memory_space<semaphore_mem>>) src(%dma_wait3A_39 : memref<512xf32, #tpu.memory_space<hbm>>) dst(%dma_wait3A_38 : memref<512xf32, #tpu.memory_space<vmem>>)
        tpu.yield
      }) : () -> ()
      %add3A_14 = arith.constant 131072 : i32
      %add3A_15 = arith.addi %add3A_14, %add3A_11 : i32
      "tpu.region"() ({
        %run_scoped3A = tpu.sem_alloc : memref<!tpu.dma_semaphore, #tpu.memory_space<semaphore_mem>>
        %dma_start3A = arith.constant 512 : i32
        %dma_start3A_30 = tpu.memref_slice %arg6[%dma_start3A] : memref<1536xf32, #tpu.memory_space<vmem>> -> memref<512xf32, #tpu.memory_space<vmem>>
        %dma_start3A_31 = tpu.memref_slice %arg2[%add3A_15] : memref<393216xf32, #tpu.memory_space<hbm>> -> memref<512xf32, #tpu.memory_space<hbm>>
        %dma_start3A_32 = arith.constant 512 : i32
        %dma_start3A_33 = tpu.memref_slice %arg6[%dma_start3A_32] : memref<1536xf32, #tpu.memory_space<vmem>> -> memref<512xf32, #tpu.memory_space<vmem>>
        %dma_start3A_34 = tpu.memref_slice %arg2[%add3A_15] : memref<393216xf32, #tpu.memory_space<hbm>> -> memref<512xf32, #tpu.memory_space<hbm>>
        tpu.enqueue_dma source(%dma_start3A_34 : memref<512xf32, #tpu.memory_space<hbm>>) target(%dma_start3A_33 : memref<512xf32, #tpu.memory_space<vmem>>) target_semaphore(%run_scoped3A : memref<!tpu.dma_semaphore, #tpu.memory_space<semaphore_mem>>)
        %dma_wait3A = arith.constant 512 : i32
        %dma_wait3A_35 = tpu.memref_slice %arg6[%dma_wait3A] : memref<1536xf32, #tpu.memory_space<vmem>> -> memref<512xf32, #tpu.memory_space<vmem>>
        %dma_wait3A_36 = tpu.memref_slice %arg2[%add3A_15] : memref<393216xf32, #tpu.memory_space<hbm>> -> memref<512xf32, #tpu.memory_space<hbm>>
        %dma_wait3A_37 = arith.constant 512 : i32
        %dma_wait3A_38 = tpu.memref_slice %arg6[%dma_wait3A_37] : memref<1536xf32, #tpu.memory_space<vmem>> -> memref<512xf32, #tpu.memory_space<vmem>>
        %dma_wait3A_39 = tpu.memref_slice %arg2[%add3A_15] : memref<393216xf32, #tpu.memory_space<hbm>> -> memref<512xf32, #tpu.memory_space<hbm>>
        tpu.wait_dma2 semaphore(%run_scoped3A : memref<!tpu.dma_semaphore, #tpu.memory_space<semaphore_mem>>) src(%dma_wait3A_39 : memref<512xf32, #tpu.memory_space<hbm>>) dst(%dma_wait3A_38 : memref<512xf32, #tpu.memory_space<vmem>>)
        tpu.yield
      }) : () -> ()
      %add3A_16 = arith.constant 262144 : i32
      %add3A_17 = arith.addi %add3A_16, %add3A_11 : i32
      "tpu.region"() ({
        %run_scoped3A = tpu.sem_alloc : memref<!tpu.dma_semaphore, #tpu.memory_space<semaphore_mem>>
        %dma_start3A = arith.constant 1024 : i32
        %dma_start3A_30 = tpu.memref_slice %arg6[%dma_start3A] : memref<1536xf32, #tpu.memory_space<vmem>> -> memref<512xf32, #tpu.memory_space<vmem>>
        %dma_start3A_31 = tpu.memref_slice %arg2[%add3A_17] : memref<393216xf32, #tpu.memory_space<hbm>> -> memref<512xf32, #tpu.memory_space<hbm>>
        %dma_start3A_32 = arith.constant 1024 : i32
        %dma_start3A_33 = tpu.memref_slice %arg6[%dma_start3A_32] : memref<1536xf32, #tpu.memory_space<vmem>> -> memref<512xf32, #tpu.memory_space<vmem>>
        %dma_start3A_34 = tpu.memref_slice %arg2[%add3A_17] : memref<393216xf32, #tpu.memory_space<hbm>> -> memref<512xf32, #tpu.memory_space<hbm>>
        tpu.enqueue_dma source(%dma_start3A_34 : memref<512xf32, #tpu.memory_space<hbm>>) target(%dma_start3A_33 : memref<512xf32, #tpu.memory_space<vmem>>) target_semaphore(%run_scoped3A : memref<!tpu.dma_semaphore, #tpu.memory_space<semaphore_mem>>)
        %dma_wait3A = arith.constant 1024 : i32
        %dma_wait3A_35 = tpu.memref_slice %arg6[%dma_wait3A] : memref<1536xf32, #tpu.memory_space<vmem>> -> memref<512xf32, #tpu.memory_space<vmem>>
        %dma_wait3A_36 = tpu.memref_slice %arg2[%add3A_17] : memref<393216xf32, #tpu.memory_space<hbm>> -> memref<512xf32, #tpu.memory_space<hbm>>
        %dma_wait3A_37 = arith.constant 1024 : i32
        %dma_wait3A_38 = tpu.memref_slice %arg6[%dma_wait3A_37] : memref<1536xf32, #tpu.memory_space<vmem>> -> memref<512xf32, #tpu.memory_space<vmem>>
        %dma_wait3A_39 = tpu.memref_slice %arg2[%add3A_17] : memref<393216xf32, #tpu.memory_space<hbm>> -> memref<512xf32, #tpu.memory_space<hbm>>
        tpu.wait_dma2 semaphore(%run_scoped3A : memref<!tpu.dma_semaphore, #tpu.memory_space<semaphore_mem>>) src(%dma_wait3A_39 : memref<512xf32, #tpu.memory_space<hbm>>) dst(%dma_wait3A_38 : memref<512xf32, #tpu.memory_space<vmem>>)
        tpu.yield
      }) : () -> ()
      %scan3A_18 = arith.constant 0 : i32
      %scan3A_19 = arith.constant 0 : i32
      %scan3A_20 = arith.constant 8 : i32
      %scan3A_21 = arith.addi %scan3A_19, %scan3A_20 : i32
      %scan3A_22 = arith.constant 1 : i32
      scf.for %scan3A_30 = %scan3A_19 to %scan3A_21 step %scan3A_22  : i32 {
        %mul3A_31 = arith.constant 2 : i32
        %mul3A_32 = arith.muli %scan3A_30, %mul3A_31 : i32
        %mul3A_33 = arith.constant 16 : i32
        %mul3A_34 = arith.muli %mul3A_32, %mul3A_33 : i32
        %get3A = arith.index_cast %mul3A_34 : i32 to index
        %get3A_35 = tpu.vector_load %arg11[%get3A] {strides = array<i32>} : memref<512xi32, #tpu.memory_space<vmem>>, vector<16xi32>,
        %bitcast3A = vector.bitcast %get3A_35 : vector<16xi32> to vector<16xf32>
        %mul3A_36 = arith.constant 16 : i32
        %mul3A_37 = arith.muli %mul3A_32, %mul3A_36 : i32
        %add3A_38 = arith.constant 256 : i32
        %add3A_39 = arith.addi %add3A_38, %mul3A_37 : i32
        %get3A_40 = arith.index_cast %add3A_39 : i32 to index
        %get3A_41 = tpu.vector_load %arg11[%get3A_40] {strides = array<i32>} : memref<512xi32, #tpu.memory_space<vmem>>, vector<16xi32>,
        %scan3A_42 = arith.constant 0 : i32
        %scan3A_43 = arith.constant 0 : i32
        %scan3A_44 = arith.constant 32 : i32
        %scan3A_45 = arith.addi %scan3A_43, %scan3A_44 : i32
        %scan3A_46 = arith.constant 1 : i32
        scf.for %scan3A_103 = %scan3A_43 to %scan3A_45 step %scan3A_46  : i32 {
          %mul3A_104 = arith.constant 16 : i32
          %mul3A_105 = arith.muli %scan3A_103, %mul3A_104 : i32
          %get3A_106 = arith.index_cast %mul3A_105 : i32 to index
          %get3A_107 = tpu.vector_load %arg6[%get3A_106] {strides = array<i32>} : memref<1536xf32, #tpu.memory_space<vmem>>, vector<16xf32>,
          %add3A_108 = arith.constant 512 : i32
          %add3A_109 = arith.addi %add3A_108, %mul3A_105 : i32
          %get3A_110 = arith.index_cast %add3A_109 : i32 to index
          %get3A_111 = tpu.vector_load %arg6[%get3A_110] {strides = array<i32>} : memref<1536xf32, #tpu.memory_space<vmem>>, vector<16xf32>,
          %add3A_112 = arith.constant 1024 : i32
          %add3A_113 = arith.addi %add3A_112, %mul3A_105 : i32
          %get3A_114 = arith.index_cast %add3A_113 : i32 to index
          %get3A_115 = tpu.vector_load %arg6[%get3A_114] {strides = array<i32>} : memref<1536xf32, #tpu.memory_space<vmem>>, vector<16xf32>,
          %mul3A_116 = arith.mulf %get3A_107, %bitcast3A : vector<16xf32>
          %mul3A_117 = arith.mulf %get3A_111, %bitcast3A : vector<16xf32>
          %mul3A_118 = arith.mulf %get3A_115, %bitcast3A : vector<16xf32>
          %convert_element_type3A = arith.fptosi %mul3A_116 : vector<16xf32> to vector<16xi32>
          %convert_element_type3A_119 = arith.fptosi %mul3A_117 : vector<16xf32> to vector<16xi32>
          %convert_element_type3A_120 = arith.fptosi %mul3A_118 : vector<16xf32> to vector<16xi32>
          %convert_element_type3A_121 = arith.sitofp %convert_element_type3A : vector<16xi32> to vector<16xf32>
          %sub3A = arith.subf %mul3A_116, %convert_element_type3A_121 : vector<16xf32>
          %add3A_122 = arith.constant 0 : i32
          %add3A_123 = arith.addi %add3A_122, %mul3A_105 : i32
          %swap3A = arith.index_cast %add3A_123 : i32 to index
          %swap3A_124 = tpu.vector_load %arg7[%swap3A] {strides = array<i32>} : memref<3072xf32, #tpu.memory_space<vmem>>, vector<16xf32>,
          tpu.vector_store %arg7[%swap3A], %sub3A {strides = array<i32>} : memref<3072xf32, #tpu.memory_space<vmem>>, vector<16xf32>,
          %convert_element_type3A_125 = arith.sitofp %convert_element_type3A_119 : vector<16xi32> to vector<16xf32>
          %sub3A_126 = arith.subf %mul3A_117, %convert_element_type3A_125 : vector<16xf32>
          %add3A_127 = arith.constant 512 : i32
          %add3A_128 = arith.addi %add3A_127, %mul3A_105 : i32
          %swap3A_129 = arith.index_cast %add3A_128 : i32 to index
          %swap3A_130 = tpu.vector_load %arg7[%swap3A_129] {strides = array<i32>} : memref<3072xf32, #tpu.memory_space<vmem>>, vector<16xf32>,
          tpu.vector_store %arg7[%swap3A_129], %sub3A_126 {strides = array<i32>} : memref<3072xf32, #tpu.memory_space<vmem>>, vector<16xf32>,
          %convert_element_type3A_131 = arith.sitofp %convert_element_type3A_120 : vector<16xi32> to vector<16xf32>
          %sub3A_132 = arith.subf %mul3A_118, %convert_element_type3A_131 : vector<16xf32>
          %add3A_133 = arith.constant 1024 : i32
          %add3A_134 = arith.addi %add3A_133, %mul3A_105 : i32
          %swap3A_135 = arith.index_cast %add3A_134 : i32 to index
          %swap3A_136 = tpu.vector_load %arg7[%swap3A_135] {strides = array<i32>} : memref<3072xf32, #tpu.memory_space<vmem>>, vector<16xf32>,
          tpu.vector_store %arg7[%swap3A_135], %sub3A_132 {strides = array<i32>} : memref<3072xf32, #tpu.memory_space<vmem>>, vector<16xf32>,
          %bitcast3A_137 = vector.bitcast %convert_element_type3A : vector<16xi32> to vector<16xi32>
          %bitcast3A_138 = vector.bitcast %convert_element_type3A_119 : vector<16xi32> to vector<16xi32>
          %mul3A_139 = arith.constant -1640531535 : i32
          %mul3A_140 = vector.broadcast %mul3A_139 : i32 to vector<16xi32>
          %mul3A_141 = arith.muli %bitcast3A_138, %mul3A_140 : vector<16xi32>
          %bitcast3A_142 = vector.bitcast %convert_element_type3A_120 : vector<16xi32> to vector<16xi32>
          %mul3A_143 = arith.constant 805459861 : i32
          %mul3A_144 = vector.broadcast %mul3A_143 : i32 to vector<16xi32>
          %mul3A_145 = arith.muli %bitcast3A_142, %mul3A_144 : vector<16xi32>
          %add3A_146 = arith.constant 1 : i32
          %add3A_147 = vector.broadcast %add3A_146 : i32 to vector<16xi32>
          %add3A_148 = arith.addi %bitcast3A_137, %add3A_147 : vector<16xi32>
          %add3A_149 = arith.constant -1640531535 : i32
          %add3A_150 = vector.broadcast %add3A_149 : i32 to vector<16xi32>
          %add3A_151 = arith.addi %mul3A_141, %add3A_150 : vector<16xi32>
          %add3A_152 = arith.constant 805459861 : i32
          %add3A_153 = vector.broadcast %add3A_152 : i32 to vector<16xi32>
          %add3A_154 = arith.addi %mul3A_145, %add3A_153 : vector<16xi32>
          %xor3A = arith.xori %bitcast3A_137, %mul3A_141 : vector<16xi32>
          %xor3A_155 = arith.xori %bitcast3A_137, %add3A_151 : vector<16xi32>
          %xor3A_156 = arith.xori %add3A_148, %mul3A_141 : vector<16xi32>
          %xor3A_157 = arith.xori %add3A_148, %add3A_151 : vector<16xi32>
          %iota3A = tpu.iota {dimensions = array<i32: 0>} : vector<16xi32>
          %add3A_158 = vector.broadcast %mul3A_105 : i32 to vector<16xi32>
          %add3A_159 = arith.addi %iota3A, %add3A_158 : vector<16xi32>
          %mul3A_160 = arith.constant 2 : i32
          %mul3A_161 = vector.broadcast %mul3A_160 : i32 to vector<16xi32>
          %mul3A_162 = arith.muli %add3A_159, %mul3A_161 : vector<16xi32>
          %add3A_163 = arith.constant 0 : i32
          %add3A_164 = vector.broadcast %add3A_163 : i32 to vector<16xi32>
          %add3A_165 = arith.addi %mul3A_162, %add3A_164 : vector<16xi32>
          %xor3A_166 = arith.xori %xor3A, %mul3A_145 : vector<16xi32>
          %and3A = arith.constant 524287 : i32
          %and3A_167 = vector.broadcast %and3A : i32 to vector<16xi32>
          %and3A_168 = arith.andi %xor3A_166, %and3A_167 : vector<16xi32>
          %shift_left3A = arith.constant 1 : i32
          %shift_left3A_169 = vector.broadcast %shift_left3A : i32 to vector<16xi32>
          %shift_left3A_170 = arith.shli %and3A_168, %shift_left3A_169 : vector<16xi32>
          %add3A_171 = arith.addi %shift_left3A_170, %get3A_41 : vector<16xi32>
          %add3A_172 = arith.constant 0 : i32
          %add3A_173 = vector.broadcast %add3A_172 : i32 to vector<16xi32>
          %add3A_174 = arith.addi %add3A_165, %add3A_173 : vector<16xi32>
          tpu.vector_store_idx %arg8[%add3A_174], %add3A_171 : memref<16384xi32, #tpu.memory_space<vmem>>[vector<16xi32>], vector<16xi32>,
          %add3A_175 = arith.constant 1 : i32
          %add3A_176 = vector.broadcast %add3A_175 : i32 to vector<16xi32>
          %add3A_177 = arith.addi %add3A_174, %add3A_176 : vector<16xi32>
          %add3A_178 = arith.constant 1 : i32
          %add3A_179 = vector.broadcast %add3A_178 : i32 to vector<16xi32>
          %add3A_180 = arith.addi %add3A_171, %add3A_179 : vector<16xi32>
          tpu.vector_store_idx %arg8[%add3A_177], %add3A_180 : memref<16384xi32, #tpu.memory_space<vmem>>[vector<16xi32>], vector<16xi32>,
          %xor3A_181 = arith.xori %xor3A, %add3A_154 : vector<16xi32>
          %and3A_182 = arith.constant 524287 : i32
          %and3A_183 = vector.broadcast %and3A_182 : i32 to vector<16xi32>
          %and3A_184 = arith.andi %xor3A_181, %and3A_183 : vector<16xi32>
          %shift_left3A_185 = arith.constant 1 : i32
          %shift_left3A_186 = vector.broadcast %shift_left3A_185 : i32 to vector<16xi32>
          %shift_left3A_187 = arith.shli %and3A_184, %shift_left3A_186 : vector<16xi32>
          %add3A_188 = arith.addi %shift_left3A_187, %get3A_41 : vector<16xi32>
          %add3A_189 = arith.constant 1024 : i32
          %add3A_190 = vector.broadcast %add3A_189 : i32 to vector<16xi32>
          %add3A_191 = arith.addi %add3A_165, %add3A_190 : vector<16xi32>
          tpu.vector_store_idx %arg8[%add3A_191], %add3A_188 : memref<16384xi32, #tpu.memory_space<vmem>>[vector<16xi32>], vector<16xi32>,
          %add3A_192 = arith.constant 1 : i32
          %add3A_193 = vector.broadcast %add3A_192 : i32 to vector<16xi32>
          %add3A_194 = arith.addi %add3A_191, %add3A_193 : vector<16xi32>
          %add3A_195 = arith.constant 1 : i32
          %add3A_196 = vector.broadcast %add3A_195 : i32 to vector<16xi32>
          %add3A_197 = arith.addi %add3A_188, %add3A_196 : vector<16xi32>
          tpu.vector_store_idx %arg8[%add3A_194], %add3A_197 : memref<16384xi32, #tpu.memory_space<vmem>>[vector<16xi32>], vector<16xi32>,
          %xor3A_198 = arith.xori %xor3A_155, %mul3A_145 : vector<16xi32>
          %and3A_199 = arith.constant 524287 : i32
          %and3A_200 = vector.broadcast %and3A_199 : i32 to vector<16xi32>
          %and3A_201 = arith.andi %xor3A_198, %and3A_200 : vector<16xi32>
          %shift_left3A_202 = arith.constant 1 : i32
          %shift_left3A_203 = vector.broadcast %shift_left3A_202 : i32 to vector<16xi32>
          %shift_left3A_204 = arith.shli %and3A_201, %shift_left3A_203 : vector<16xi32>
          %add3A_205 = arith.addi %shift_left3A_204, %get3A_41 : vector<16xi32>
          %add3A_206 = arith.constant 2048 : i32
          %add3A_207 = vector.broadcast %add3A_206 : i32 to vector<16xi32>
          %add3A_208 = arith.addi %add3A_165, %add3A_207 : vector<16xi32>
          tpu.vector_store_idx %arg8[%add3A_208], %add3A_205 : memref<16384xi32, #tpu.memory_space<vmem>>[vector<16xi32>], vector<16xi32>,
          %add3A_209 = arith.constant 1 : i32
          %add3A_210 = vector.broadcast %add3A_209 : i32 to vector<16xi32>
          %add3A_211 = arith.addi %add3A_208, %add3A_210 : vector<16xi32>
          %add3A_212 = arith.constant 1 : i32
          %add3A_213 = vector.broadcast %add3A_212 : i32 to vector<16xi32>
          %add3A_214 = arith.addi %add3A_205, %add3A_213 : vector<16xi32>
          tpu.vector_store_idx %arg8[%add3A_211], %add3A_214 : memref<16384xi32, #tpu.memory_space<vmem>>[vector<16xi32>], vector<16xi32>,
          %xor3A_215 = arith.xori %xor3A_155, %add3A_154 : vector<16xi32>
          %and3A_216 = arith.constant 524287 : i32
          %and3A_217 = vector.broadcast %and3A_216 : i32 to vector<16xi32>
          %and3A_218 = arith.andi %xor3A_215, %and3A_217 : vector<16xi32>
          %shift_left3A_219 = arith.constant 1 : i32
          %shift_left3A_220 = vector.broadcast %shift_left3A_219 : i32 to vector<16xi32>
          %shift_left3A_221 = arith.shli %and3A_218, %shift_left3A_220 : vector<16xi32>
          %add3A_222 = arith.addi %shift_left3A_221, %get3A_41 : vector<16xi32>
          %add3A_223 = arith.constant 3072 : i32
          %add3A_224 = vector.broadcast %add3A_223 : i32 to vector<16xi32>
          %add3A_225 = arith.addi %add3A_165, %add3A_224 : vector<16xi32>
          tpu.vector_store_idx %arg8[%add3A_225], %add3A_222 : memref<16384xi32, #tpu.memory_space<vmem>>[vector<16xi32>], vector<16xi32>,
          %add3A_226 = arith.constant 1 : i32
          %add3A_227 = vector.broadcast %add3A_226 : i32 to vector<16xi32>
          %add3A_228 = arith.addi %add3A_225, %add3A_227 : vector<16xi32>
          %add3A_229 = arith.constant 1 : i32
          %add3A_230 = vector.broadcast %add3A_229 : i32 to vector<16xi32>
          %add3A_231 = arith.addi %add3A_222, %add3A_230 : vector<16xi32>
          tpu.vector_store_idx %arg8[%add3A_228], %add3A_231 : memref<16384xi32, #tpu.memory_space<vmem>>[vector<16xi32>], vector<16xi32>,
          %xor3A_232 = arith.xori %xor3A_156, %mul3A_145 : vector<16xi32>
          %and3A_233 = arith.constant 524287 : i32
          %and3A_234 = vector.broadcast %and3A_233 : i32 to vector<16xi32>
          %and3A_235 = arith.andi %xor3A_232, %and3A_234 : vector<16xi32>
          %shift_left3A_236 = arith.constant 1 : i32
          %shift_left3A_237 = vector.broadcast %shift_left3A_236 : i32 to vector<16xi32>
          %shift_left3A_238 = arith.shli %and3A_235, %shift_left3A_237 : vector<16xi32>
          %add3A_239 = arith.addi %shift_left3A_238, %get3A_41 : vector<16xi32>
          %add3A_240 = arith.constant 4096 : i32
          %add3A_241 = vector.broadcast %add3A_240 : i32 to vector<16xi32>
          %add3A_242 = arith.addi %add3A_165, %add3A_241 : vector<16xi32>
          tpu.vector_store_idx %arg8[%add3A_242], %add3A_239 : memref<16384xi32, #tpu.memory_space<vmem>>[vector<16xi32>], vector<16xi32>,
          %add3A_243 = arith.constant 1 : i32
          %add3A_244 = vector.broadcast %add3A_243 : i32 to vector<16xi32>
          %add3A_245 = arith.addi %add3A_242, %add3A_244 : vector<16xi32>
          %add3A_246 = arith.constant 1 : i32
          %add3A_247 = vector.broadcast %add3A_246 : i32 to vector<16xi32>
          %add3A_248 = arith.addi %add3A_239, %add3A_247 : vector<16xi32>
          tpu.vector_store_idx %arg8[%add3A_245], %add3A_248 : memref<16384xi32, #tpu.memory_space<vmem>>[vector<16xi32>], vector<16xi32>,
          %xor3A_249 = arith.xori %xor3A_156, %add3A_154 : vector<16xi32>
          %and3A_250 = arith.constant 524287 : i32
          %and3A_251 = vector.broadcast %and3A_250 : i32 to vector<16xi32>
          %and3A_252 = arith.andi %xor3A_249, %and3A_251 : vector<16xi32>
          %shift_left3A_253 = arith.constant 1 : i32
          %shift_left3A_254 = vector.broadcast %shift_left3A_253 : i32 to vector<16xi32>
          %shift_left3A_255 = arith.shli %and3A_252, %shift_left3A_254 : vector<16xi32>
          %add3A_256 = arith.addi %shift_left3A_255, %get3A_41 : vector<16xi32>
          %add3A_257 = arith.constant 5120 : i32
          %add3A_258 = vector.broadcast %add3A_257 : i32 to vector<16xi32>
          %add3A_259 = arith.addi %add3A_165, %add3A_258 : vector<16xi32>
          tpu.vector_store_idx %arg8[%add3A_259], %add3A_256 : memref<16384xi32, #tpu.memory_space<vmem>>[vector<16xi32>], vector<16xi32>,
          %add3A_260 = arith.constant 1 : i32
          %add3A_261 = vector.broadcast %add3A_260 : i32 to vector<16xi32>
          %add3A_262 = arith.addi %add3A_259, %add3A_261 : vector<16xi32>
          %add3A_263 = arith.constant 1 : i32
          %add3A_264 = vector.broadcast %add3A_263 : i32 to vector<16xi32>
          %add3A_265 = arith.addi %add3A_256, %add3A_264 : vector<16xi32>
          tpu.vector_store_idx %arg8[%add3A_262], %add3A_265 : memref<16384xi32, #tpu.memory_space<vmem>>[vector<16xi32>], vector<16xi32>,
          %xor3A_266 = arith.xori %xor3A_157, %mul3A_145 : vector<16xi32>
          %and3A_267 = arith.constant 524287 : i32
          %and3A_268 = vector.broadcast %and3A_267 : i32 to vector<16xi32>
          %and3A_269 = arith.andi %xor3A_266, %and3A_268 : vector<16xi32>
          %shift_left3A_270 = arith.constant 1 : i32
          %shift_left3A_271 = vector.broadcast %shift_left3A_270 : i32 to vector<16xi32>
          %shift_left3A_272 = arith.shli %and3A_269, %shift_left3A_271 : vector<16xi32>
          %add3A_273 = arith.addi %shift_left3A_272, %get3A_41 : vector<16xi32>
          %add3A_274 = arith.constant 6144 : i32
          %add3A_275 = vector.broadcast %add3A_274 : i32 to vector<16xi32>
          %add3A_276 = arith.addi %add3A_165, %add3A_275 : vector<16xi32>
          tpu.vector_store_idx %arg8[%add3A_276], %add3A_273 : memref<16384xi32, #tpu.memory_space<vmem>>[vector<16xi32>], vector<16xi32>,
          %add3A_277 = arith.constant 1 : i32
          %add3A_278 = vector.broadcast %add3A_277 : i32 to vector<16xi32>
          %add3A_279 = arith.addi %add3A_276, %add3A_278 : vector<16xi32>
          %add3A_280 = arith.constant 1 : i32
          %add3A_281 = vector.broadcast %add3A_280 : i32 to vector<16xi32>
          %add3A_282 = arith.addi %add3A_273, %add3A_281 : vector<16xi32>
          tpu.vector_store_idx %arg8[%add3A_279], %add3A_282 : memref<16384xi32, #tpu.memory_space<vmem>>[vector<16xi32>], vector<16xi32>,
          %xor3A_283 = arith.xori %xor3A_157, %add3A_154 : vector<16xi32>
          %and3A_284 = arith.constant 524287 : i32
          %and3A_285 = vector.broadcast %and3A_284 : i32 to vector<16xi32>
          %and3A_286 = arith.andi %xor3A_283, %and3A_285 : vector<16xi32>
          %shift_left3A_287 = arith.constant 1 : i32
          %shift_left3A_288 = vector.broadcast %shift_left3A_287 : i32 to vector<16xi32>
          %shift_left3A_289 = arith.shli %and3A_286, %shift_left3A_288 : vector<16xi32>
          %add3A_290 = arith.addi %shift_left3A_289, %get3A_41 : vector<16xi32>
          %add3A_291 = arith.constant 7168 : i32
          %add3A_292 = vector.broadcast %add3A_291 : i32 to vector<16xi32>
          %add3A_293 = arith.addi %add3A_165, %add3A_292 : vector<16xi32>
          tpu.vector_store_idx %arg8[%add3A_293], %add3A_290 : memref<16384xi32, #tpu.memory_space<vmem>>[vector<16xi32>], vector<16xi32>,
          %add3A_294 = arith.constant 1 : i32
          %add3A_295 = vector.broadcast %add3A_294 : i32 to vector<16xi32>
          %add3A_296 = arith.addi %add3A_293, %add3A_295 : vector<16xi32>
          %add3A_297 = arith.constant 1 : i32
          %add3A_298 = vector.broadcast %add3A_297 : i32 to vector<16xi32>
          %add3A_299 = arith.addi %add3A_290, %add3A_298 : vector<16xi32>
          tpu.vector_store_idx %arg8[%add3A_296], %add3A_299 : memref<16384xi32, #tpu.memory_space<vmem>>[vector<16xi32>], vector<16xi32>,
        }
        %scan3A_47 = arith.constant 32 : i32
        %dma_start3A = arith.constant 0 : i32
        %dma_start3A_48 = tpu.memref_slice %arg9[%dma_start3A] : memref<16384xf32, #tpu.memory_space<vmem>> -> memref<8192xf32, #tpu.memory_space<vmem>>
        %dma_start3A_49 = arith.constant 0 : i32
        %dma_start3A_50 = tpu.memref_slice %arg8[%dma_start3A_49] : memref<16384xi32, #tpu.memory_space<vmem>> -> memref<8192xi32, #tpu.memory_space<vmem>>
        %dma_start3A_51 = arith.constant 0 : i32
        %dma_start3A_52 = tpu.memref_slice %arg3[%dma_start3A_51] : memref<16777216xf32, #tpu.memory_space<hbm>> -> memref<16777216xf32, #tpu.memory_space<hbm>>
        tpu.enqueue_indirect_dma source(%dma_start3A_52 : memref<16777216xf32, #tpu.memory_space<hbm>>) target(%dma_start3A_48 : memref<8192xf32, #tpu.memory_space<vmem>>) offsets(%dma_start3A_50 : memref<8192xi32, #tpu.memory_space<vmem>>) semaphore(%arg12 : memref<!tpu.dma_semaphore, #tpu.memory_space<semaphore_mem>>)
        %add3A_53 = arith.constant 1 : i32
        %add3A_54 = arith.addi %mul3A_32, %add3A_53 : i32
        %mul3A_55 = arith.constant 16 : i32
        %mul3A_56 = arith.muli %add3A_54, %mul3A_55 : i32
        %get3A_57 = arith.index_cast %mul3A_56 : i32 to index
        %get3A_58 = tpu.vector_load %arg11[%get3A_57] {strides = array<i32>} : memref<512xi32, #tpu.memory_space<vmem>>, vector<16xi32>,
        %bitcast3A_59 = vector.bitcast %get3A_58 : vector<16xi32> to vector<16xf32>
        %mul3A_60 = arith.constant 16 : i32
        %mul3A_61 = arith.muli %add3A_54, %mul3A_60 : i32
        %add3A_62 = arith.constant 256 : i32
        %add3A_63 = arith.addi %add3A_62, %mul3A_61 : i32
        %get3A_64 = arith.index_cast %add3A_63 : i32 to index
        %get3A_65 = tpu.vector_load %arg11[%get3A_64] {strides = array<i32>} : memref<512xi32, #tpu.memory_space<vmem>>, vector<16xi32>,
        %scan3A_66 = arith.constant 0 : i32
        %scan3A_67 = arith.constant 0 : i32
        %scan3A_68 = arith.constant 32 : i32
        %scan3A_69 = arith.addi %scan3A_67, %scan3A_68 : i32
        %scan3A_70 = arith.constant 1 : i32
        scf.for %scan3A_103 = %scan3A_67 to %scan3A_69 step %scan3A_70  : i32 {
          %mul3A_104 = arith.constant 16 : i32
          %mul3A_105 = arith.muli %scan3A_103, %mul3A_104 : i32
          %get3A_106 = arith.index_cast %mul3A_105 : i32 to index
          %get3A_107 = tpu.vector_load %arg6[%get3A_106] {strides = array<i32>} : memref<1536xf32, #tpu.memory_space<vmem>>, vector<16xf32>,
          %add3A_108 = arith.constant 512 : i32
          %add3A_109 = arith.addi %add3A_108, %mul3A_105 : i32
          %get3A_110 = arith.index_cast %add3A_109 : i32 to index
          %get3A_111 = tpu.vector_load %arg6[%get3A_110] {strides = array<i32>} : memref<1536xf32, #tpu.memory_space<vmem>>, vector<16xf32>,
          %add3A_112 = arith.constant 1024 : i32
          %add3A_113 = arith.addi %add3A_112, %mul3A_105 : i32
          %get3A_114 = arith.index_cast %add3A_113 : i32 to index
          %get3A_115 = tpu.vector_load %arg6[%get3A_114] {strides = array<i32>} : memref<1536xf32, #tpu.memory_space<vmem>>, vector<16xf32>,
          %mul3A_116 = arith.mulf %get3A_107, %bitcast3A_59 : vector<16xf32>
          %mul3A_117 = arith.mulf %get3A_111, %bitcast3A_59 : vector<16xf32>
          %mul3A_118 = arith.mulf %get3A_115, %bitcast3A_59 : vector<16xf32>
          %convert_element_type3A = arith.fptosi %mul3A_116 : vector<16xf32> to vector<16xi32>
          %convert_element_type3A_119 = arith.fptosi %mul3A_117 : vector<16xf32> to vector<16xi32>
          %convert_element_type3A_120 = arith.fptosi %mul3A_118 : vector<16xf32> to vector<16xi32>
          %convert_element_type3A_121 = arith.sitofp %convert_element_type3A : vector<16xi32> to vector<16xf32>
          %sub3A = arith.subf %mul3A_116, %convert_element_type3A_121 : vector<16xf32>
          %add3A_122 = arith.constant 1536 : i32
          %add3A_123 = arith.addi %add3A_122, %mul3A_105 : i32
          %swap3A = arith.index_cast %add3A_123 : i32 to index
          %swap3A_124 = tpu.vector_load %arg7[%swap3A] {strides = array<i32>} : memref<3072xf32, #tpu.memory_space<vmem>>, vector<16xf32>,
          tpu.vector_store %arg7[%swap3A], %sub3A {strides = array<i32>} : memref<3072xf32, #tpu.memory_space<vmem>>, vector<16xf32>,
          %convert_element_type3A_125 = arith.sitofp %convert_element_type3A_119 : vector<16xi32> to vector<16xf32>
          %sub3A_126 = arith.subf %mul3A_117, %convert_element_type3A_125 : vector<16xf32>
          %add3A_127 = arith.constant 2048 : i32
          %add3A_128 = arith.addi %add3A_127, %mul3A_105 : i32
          %swap3A_129 = arith.index_cast %add3A_128 : i32 to index
          %swap3A_130 = tpu.vector_load %arg7[%swap3A_129] {strides = array<i32>} : memref<3072xf32, #tpu.memory_space<vmem>>, vector<16xf32>,
          tpu.vector_store %arg7[%swap3A_129], %sub3A_126 {strides = array<i32>} : memref<3072xf32, #tpu.memory_space<vmem>>, vector<16xf32>,
          %convert_element_type3A_131 = arith.sitofp %convert_element_type3A_120 : vector<16xi32> to vector<16xf32>
          %sub3A_132 = arith.subf %mul3A_118, %convert_element_type3A_131 : vector<16xf32>
          %add3A_133 = arith.constant 2560 : i32
          %add3A_134 = arith.addi %add3A_133, %mul3A_105 : i32
          %swap3A_135 = arith.index_cast %add3A_134 : i32 to index
          %swap3A_136 = tpu.vector_load %arg7[%swap3A_135] {strides = array<i32>} : memref<3072xf32, #tpu.memory_space<vmem>>, vector<16xf32>,
          tpu.vector_store %arg7[%swap3A_135], %sub3A_132 {strides = array<i32>} : memref<3072xf32, #tpu.memory_space<vmem>>, vector<16xf32>,
          %bitcast3A_137 = vector.bitcast %convert_element_type3A : vector<16xi32> to vector<16xi32>
          %bitcast3A_138 = vector.bitcast %convert_element_type3A_119 : vector<16xi32> to vector<16xi32>
          %mul3A_139 = arith.constant -1640531535 : i32
          %mul3A_140 = vector.broadcast %mul3A_139 : i32 to vector<16xi32>
          %mul3A_141 = arith.muli %bitcast3A_138, %mul3A_140 : vector<16xi32>
          %bitcast3A_142 = vector.bitcast %convert_element_type3A_120 : vector<16xi32> to vector<16xi32>
          %mul3A_143 = arith.constant 805459861 : i32
          %mul3A_144 = vector.broadcast %mul3A_143 : i32 to vector<16xi32>
          %mul3A_145 = arith.muli %bitcast3A_142, %mul3A_144 : vector<16xi32>
          %add3A_146 = arith.constant 1 : i32
          %add3A_147 = vector.broadcast %add3A_146 : i32 to vector<16xi32>
          %add3A_148 = arith.addi %bitcast3A_137, %add3A_147 : vector<16xi32>
          %add3A_149 = arith.constant -1640531535 : i32
          %add3A_150 = vector.broadcast %add3A_149 : i32 to vector<16xi32>
          %add3A_151 = arith.addi %mul3A_141, %add3A_150 : vector<16xi32>
          %add3A_152 = arith.constant 805459861 : i32
          %add3A_153 = vector.broadcast %add3A_152 : i32 to vector<16xi32>
          %add3A_154 = arith.addi %mul3A_145, %add3A_153 : vector<16xi32>
          %xor3A = arith.xori %bitcast3A_137, %mul3A_141 : vector<16xi32>
          %xor3A_155 = arith.xori %bitcast3A_137, %add3A_151 : vector<16xi32>
          %xor3A_156 = arith.xori %add3A_148, %mul3A_141 : vector<16xi32>
          %xor3A_157 = arith.xori %add3A_148, %add3A_151 : vector<16xi32>
          %iota3A = tpu.iota {dimensions = array<i32: 0>} : vector<16xi32>
          %add3A_158 = vector.broadcast %mul3A_105 : i32 to vector<16xi32>
          %add3A_159 = arith.addi %iota3A, %add3A_158 : vector<16xi32>
          %mul3A_160 = arith.constant 2 : i32
          %mul3A_161 = vector.broadcast %mul3A_160 : i32 to vector<16xi32>
          %mul3A_162 = arith.muli %add3A_159, %mul3A_161 : vector<16xi32>
          %add3A_163 = arith.constant 8192 : i32
          %add3A_164 = vector.broadcast %add3A_163 : i32 to vector<16xi32>
          %add3A_165 = arith.addi %mul3A_162, %add3A_164 : vector<16xi32>
          %xor3A_166 = arith.xori %xor3A, %mul3A_145 : vector<16xi32>
          %and3A = arith.constant 524287 : i32
          %and3A_167 = vector.broadcast %and3A : i32 to vector<16xi32>
          %and3A_168 = arith.andi %xor3A_166, %and3A_167 : vector<16xi32>
          %shift_left3A = arith.constant 1 : i32
          %shift_left3A_169 = vector.broadcast %shift_left3A : i32 to vector<16xi32>
          %shift_left3A_170 = arith.shli %and3A_168, %shift_left3A_169 : vector<16xi32>
          %add3A_171 = arith.addi %shift_left3A_170, %get3A_65 : vector<16xi32>
          %add3A_172 = arith.constant 0 : i32
          %add3A_173 = vector.broadcast %add3A_172 : i32 to vector<16xi32>
          %add3A_174 = arith.addi %add3A_165, %add3A_173 : vector<16xi32>
          tpu.vector_store_idx %arg8[%add3A_174], %add3A_171 : memref<16384xi32, #tpu.memory_space<vmem>>[vector<16xi32>], vector<16xi32>,
          %add3A_175 = arith.constant 1 : i32
          %add3A_176 = vector.broadcast %add3A_175 : i32 to vector<16xi32>
          %add3A_177 = arith.addi %add3A_174, %add3A_176 : vector<16xi32>
          %add3A_178 = arith.constant 1 : i32
          %add3A_179 = vector.broadcast %add3A_178 : i32 to vector<16xi32>
          %add3A_180 = arith.addi %add3A_171, %add3A_179 : vector<16xi32>
          tpu.vector_store_idx %arg8[%add3A_177], %add3A_180 : memref<16384xi32, #tpu.memory_space<vmem>>[vector<16xi32>], vector<16xi32>,
          %xor3A_181 = arith.xori %xor3A, %add3A_154 : vector<16xi32>
          %and3A_182 = arith.constant 524287 : i32
          %and3A_183 = vector.broadcast %and3A_182 : i32 to vector<16xi32>
          %and3A_184 = arith.andi %xor3A_181, %and3A_183 : vector<16xi32>
          %shift_left3A_185 = arith.constant 1 : i32
          %shift_left3A_186 = vector.broadcast %shift_left3A_185 : i32 to vector<16xi32>
          %shift_left3A_187 = arith.shli %and3A_184, %shift_left3A_186 : vector<16xi32>
          %add3A_188 = arith.addi %shift_left3A_187, %get3A_65 : vector<16xi32>
          %add3A_189 = arith.constant 1024 : i32
          %add3A_190 = vector.broadcast %add3A_189 : i32 to vector<16xi32>
          %add3A_191 = arith.addi %add3A_165, %add3A_190 : vector<16xi32>
          tpu.vector_store_idx %arg8[%add3A_191], %add3A_188 : memref<16384xi32, #tpu.memory_space<vmem>>[vector<16xi32>], vector<16xi32>,
          %add3A_192 = arith.constant 1 : i32
          %add3A_193 = vector.broadcast %add3A_192 : i32 to vector<16xi32>
          %add3A_194 = arith.addi %add3A_191, %add3A_193 : vector<16xi32>
          %add3A_195 = arith.constant 1 : i32
          %add3A_196 = vector.broadcast %add3A_195 : i32 to vector<16xi32>
          %add3A_197 = arith.addi %add3A_188, %add3A_196 : vector<16xi32>
          tpu.vector_store_idx %arg8[%add3A_194], %add3A_197 : memref<16384xi32, #tpu.memory_space<vmem>>[vector<16xi32>], vector<16xi32>,
          %xor3A_198 = arith.xori %xor3A_155, %mul3A_145 : vector<16xi32>
          %and3A_199 = arith.constant 524287 : i32
          %and3A_200 = vector.broadcast %and3A_199 : i32 to vector<16xi32>
          %and3A_201 = arith.andi %xor3A_198, %and3A_200 : vector<16xi32>
          %shift_left3A_202 = arith.constant 1 : i32
          %shift_left3A_203 = vector.broadcast %shift_left3A_202 : i32 to vector<16xi32>
          %shift_left3A_204 = arith.shli %and3A_201, %shift_left3A_203 : vector<16xi32>
          %add3A_205 = arith.addi %shift_left3A_204, %get3A_65 : vector<16xi32>
          %add3A_206 = arith.constant 2048 : i32
          %add3A_207 = vector.broadcast %add3A_206 : i32 to vector<16xi32>
          %add3A_208 = arith.addi %add3A_165, %add3A_207 : vector<16xi32>
          tpu.vector_store_idx %arg8[%add3A_208], %add3A_205 : memref<16384xi32, #tpu.memory_space<vmem>>[vector<16xi32>], vector<16xi32>,
          %add3A_209 = arith.constant 1 : i32
          %add3A_210 = vector.broadcast %add3A_209 : i32 to vector<16xi32>
          %add3A_211 = arith.addi %add3A_208, %add3A_210 : vector<16xi32>
          %add3A_212 = arith.constant 1 : i32
          %add3A_213 = vector.broadcast %add3A_212 : i32 to vector<16xi32>
          %add3A_214 = arith.addi %add3A_205, %add3A_213 : vector<16xi32>
          tpu.vector_store_idx %arg8[%add3A_211], %add3A_214 : memref<16384xi32, #tpu.memory_space<vmem>>[vector<16xi32>], vector<16xi32>,
          %xor3A_215 = arith.xori %xor3A_155, %add3A_154 : vector<16xi32>
          %and3A_216 = arith.constant 524287 : i32
          %and3A_217 = vector.broadcast %and3A_216 : i32 to vector<16xi32>
          %and3A_218 = arith.andi %xor3A_215, %and3A_217 : vector<16xi32>
          %shift_left3A_219 = arith.constant 1 : i32
          %shift_left3A_220 = vector.broadcast %shift_left3A_219 : i32 to vector<16xi32>
          %shift_left3A_221 = arith.shli %and3A_218, %shift_left3A_220 : vector<16xi32>
          %add3A_222 = arith.addi %shift_left3A_221, %get3A_65 : vector<16xi32>
          %add3A_223 = arith.constant 3072 : i32
          %add3A_224 = vector.broadcast %add3A_223 : i32 to vector<16xi32>
          %add3A_225 = arith.addi %add3A_165, %add3A_224 : vector<16xi32>
          tpu.vector_store_idx %arg8[%add3A_225], %add3A_222 : memref<16384xi32, #tpu.memory_space<vmem>>[vector<16xi32>], vector<16xi32>,
          %add3A_226 = arith.constant 1 : i32
          %add3A_227 = vector.broadcast %add3A_226 : i32 to vector<16xi32>
          %add3A_228 = arith.addi %add3A_225, %add3A_227 : vector<16xi32>
          %add3A_229 = arith.constant 1 : i32
          %add3A_230 = vector.broadcast %add3A_229 : i32 to vector<16xi32>
          %add3A_231 = arith.addi %add3A_222, %add3A_230 : vector<16xi32>
          tpu.vector_store_idx %arg8[%add3A_228], %add3A_231 : memref<16384xi32, #tpu.memory_space<vmem>>[vector<16xi32>], vector<16xi32>,
          %xor3A_232 = arith.xori %xor3A_156, %mul3A_145 : vector<16xi32>
          %and3A_233 = arith.constant 524287 : i32
          %and3A_234 = vector.broadcast %and3A_233 : i32 to vector<16xi32>
          %and3A_235 = arith.andi %xor3A_232, %and3A_234 : vector<16xi32>
          %shift_left3A_236 = arith.constant 1 : i32
          %shift_left3A_237 = vector.broadcast %shift_left3A_236 : i32 to vector<16xi32>
          %shift_left3A_238 = arith.shli %and3A_235, %shift_left3A_237 : vector<16xi32>
          %add3A_239 = arith.addi %shift_left3A_238, %get3A_65 : vector<16xi32>
          %add3A_240 = arith.constant 4096 : i32
          %add3A_241 = vector.broadcast %add3A_240 : i32 to vector<16xi32>
          %add3A_242 = arith.addi %add3A_165, %add3A_241 : vector<16xi32>
          tpu.vector_store_idx %arg8[%add3A_242], %add3A_239 : memref<16384xi32, #tpu.memory_space<vmem>>[vector<16xi32>], vector<16xi32>,
          %add3A_243 = arith.constant 1 : i32
          %add3A_244 = vector.broadcast %add3A_243 : i32 to vector<16xi32>
          %add3A_245 = arith.addi %add3A_242, %add3A_244 : vector<16xi32>
          %add3A_246 = arith.constant 1 : i32
          %add3A_247 = vector.broadcast %add3A_246 : i32 to vector<16xi32>
          %add3A_248 = arith.addi %add3A_239, %add3A_247 : vector<16xi32>
          tpu.vector_store_idx %arg8[%add3A_245], %add3A_248 : memref<16384xi32, #tpu.memory_space<vmem>>[vector<16xi32>], vector<16xi32>,
          %xor3A_249 = arith.xori %xor3A_156, %add3A_154 : vector<16xi32>
          %and3A_250 = arith.constant 524287 : i32
          %and3A_251 = vector.broadcast %and3A_250 : i32 to vector<16xi32>
          %and3A_252 = arith.andi %xor3A_249, %and3A_251 : vector<16xi32>
          %shift_left3A_253 = arith.constant 1 : i32
          %shift_left3A_254 = vector.broadcast %shift_left3A_253 : i32 to vector<16xi32>
          %shift_left3A_255 = arith.shli %and3A_252, %shift_left3A_254 : vector<16xi32>
          %add3A_256 = arith.addi %shift_left3A_255, %get3A_65 : vector<16xi32>
          %add3A_257 = arith.constant 5120 : i32
          %add3A_258 = vector.broadcast %add3A_257 : i32 to vector<16xi32>
          %add3A_259 = arith.addi %add3A_165, %add3A_258 : vector<16xi32>
          tpu.vector_store_idx %arg8[%add3A_259], %add3A_256 : memref<16384xi32, #tpu.memory_space<vmem>>[vector<16xi32>], vector<16xi32>,
          %add3A_260 = arith.constant 1 : i32
          %add3A_261 = vector.broadcast %add3A_260 : i32 to vector<16xi32>
          %add3A_262 = arith.addi %add3A_259, %add3A_261 : vector<16xi32>
          %add3A_263 = arith.constant 1 : i32
          %add3A_264 = vector.broadcast %add3A_263 : i32 to vector<16xi32>
          %add3A_265 = arith.addi %add3A_256, %add3A_264 : vector<16xi32>
          tpu.vector_store_idx %arg8[%add3A_262], %add3A_265 : memref<16384xi32, #tpu.memory_space<vmem>>[vector<16xi32>], vector<16xi32>,
          %xor3A_266 = arith.xori %xor3A_157, %mul3A_145 : vector<16xi32>
          %and3A_267 = arith.constant 524287 : i32
          %and3A_268 = vector.broadcast %and3A_267 : i32 to vector<16xi32>
          %and3A_269 = arith.andi %xor3A_266, %and3A_268 : vector<16xi32>
          %shift_left3A_270 = arith.constant 1 : i32
          %shift_left3A_271 = vector.broadcast %shift_left3A_270 : i32 to vector<16xi32>
          %shift_left3A_272 = arith.shli %and3A_269, %shift_left3A_271 : vector<16xi32>
          %add3A_273 = arith.addi %shift_left3A_272, %get3A_65 : vector<16xi32>
          %add3A_274 = arith.constant 6144 : i32
          %add3A_275 = vector.broadcast %add3A_274 : i32 to vector<16xi32>
          %add3A_276 = arith.addi %add3A_165, %add3A_275 : vector<16xi32>
          tpu.vector_store_idx %arg8[%add3A_276], %add3A_273 : memref<16384xi32, #tpu.memory_space<vmem>>[vector<16xi32>], vector<16xi32>,
          %add3A_277 = arith.constant 1 : i32
          %add3A_278 = vector.broadcast %add3A_277 : i32 to vector<16xi32>
          %add3A_279 = arith.addi %add3A_276, %add3A_278 : vector<16xi32>
          %add3A_280 = arith.constant 1 : i32
          %add3A_281 = vector.broadcast %add3A_280 : i32 to vector<16xi32>
          %add3A_282 = arith.addi %add3A_273, %add3A_281 : vector<16xi32>
          tpu.vector_store_idx %arg8[%add3A_279], %add3A_282 : memref<16384xi32, #tpu.memory_space<vmem>>[vector<16xi32>], vector<16xi32>,
          %xor3A_283 = arith.xori %xor3A_157, %add3A_154 : vector<16xi32>
          %and3A_284 = arith.constant 524287 : i32
          %and3A_285 = vector.broadcast %and3A_284 : i32 to vector<16xi32>
          %and3A_286 = arith.andi %xor3A_283, %and3A_285 : vector<16xi32>
          %shift_left3A_287 = arith.constant 1 : i32
          %shift_left3A_288 = vector.broadcast %shift_left3A_287 : i32 to vector<16xi32>
          %shift_left3A_289 = arith.shli %and3A_286, %shift_left3A_288 : vector<16xi32>
          %add3A_290 = arith.addi %shift_left3A_289, %get3A_65 : vector<16xi32>
          %add3A_291 = arith.constant 7168 : i32
          %add3A_292 = vector.broadcast %add3A_291 : i32 to vector<16xi32>
          %add3A_293 = arith.addi %add3A_165, %add3A_292 : vector<16xi32>
          tpu.vector_store_idx %arg8[%add3A_293], %add3A_290 : memref<16384xi32, #tpu.memory_space<vmem>>[vector<16xi32>], vector<16xi32>,
          %add3A_294 = arith.constant 1 : i32
          %add3A_295 = vector.broadcast %add3A_294 : i32 to vector<16xi32>
          %add3A_296 = arith.addi %add3A_293, %add3A_295 : vector<16xi32>
          %add3A_297 = arith.constant 1 : i32
          %add3A_298 = vector.broadcast %add3A_297 : i32 to vector<16xi32>
          %add3A_299 = arith.addi %add3A_290, %add3A_298 : vector<16xi32>
          tpu.vector_store_idx %arg8[%add3A_296], %add3A_299 : memref<16384xi32, #tpu.memory_space<vmem>>[vector<16xi32>], vector<16xi32>,
        }
        %scan3A_71 = arith.constant 32 : i32
        %dma_start3A_72 = arith.constant 8192 : i32
        %dma_start3A_73 = tpu.memref_slice %arg9[%dma_start3A_72] : memref<16384xf32, #tpu.memory_space<vmem>> -> memref<8192xf32, #tpu.memory_space<vmem>>
        %dma_start3A_74 = arith.constant 8192 : i32
        %dma_start3A_75 = tpu.memref_slice %arg8[%dma_start3A_74] : memref<16384xi32, #tpu.memory_space<vmem>> -> memref<8192xi32, #tpu.memory_space<vmem>>
        %dma_start3A_76 = arith.constant 0 : i32
        %dma_start3A_77 = tpu.memref_slice %arg3[%dma_start3A_76] : memref<16777216xf32, #tpu.memory_space<hbm>> -> memref<16777216xf32, #tpu.memory_space<hbm>>
        tpu.enqueue_indirect_dma source(%dma_start3A_77 : memref<16777216xf32, #tpu.memory_space<hbm>>) target(%dma_start3A_73 : memref<8192xf32, #tpu.memory_space<vmem>>) offsets(%dma_start3A_75 : memref<8192xi32, #tpu.memory_space<vmem>>) semaphore(%arg13 : memref<!tpu.dma_semaphore, #tpu.memory_space<semaphore_mem>>)
        %dma_wait3A = arith.constant 0 : i32
        %dma_wait3A_78 = tpu.memref_slice %arg9[%dma_wait3A] : memref<16384xf32, #tpu.memory_space<vmem>> -> memref<8192xf32, #tpu.memory_space<vmem>>
        %dma_wait3A_79 = arith.constant 0 : i32
        %dma_wait3A_80 = tpu.memref_slice %arg8[%dma_wait3A_79] : memref<16384xi32, #tpu.memory_space<vmem>> -> memref<8192xi32, #tpu.memory_space<vmem>>
        %dma_wait3A_81 = arith.constant 0 : i32
        %dma_wait3A_82 = tpu.memref_slice %arg3[%dma_wait3A_81] : memref<16777216xf32, #tpu.memory_space<hbm>> -> memref<16777216xf32, #tpu.memory_space<hbm>>
        tpu.wait_indirect_dma semaphore(%arg12 : memref<!tpu.dma_semaphore, #tpu.memory_space<semaphore_mem>>) src(%dma_wait3A_82 : memref<16777216xf32, #tpu.memory_space<hbm>>) dst(%dma_wait3A_78 : memref<8192xf32, #tpu.memory_space<vmem>>)
        %scan3A_83 = arith.constant 0 : i32
        %scan3A_84 = arith.constant 0 : i32
        %scan3A_85 = arith.constant 32 : i32
        %scan3A_86 = arith.addi %scan3A_84, %scan3A_85 : i32
        %scan3A_87 = arith.constant 1 : i32
        scf.for %scan3A_103 = %scan3A_84 to %scan3A_86 step %scan3A_87  : i32 {
          %mul3A_104 = arith.constant 16 : i32
          %mul3A_105 = arith.muli %scan3A_103, %mul3A_104 : i32
          %add3A_106 = arith.constant 0 : i32
          %add3A_107 = arith.addi %add3A_106, %mul3A_105 : i32
          %get3A_108 = arith.index_cast %add3A_107 : i32 to index
          %get3A_109 = tpu.vector_load %arg7[%get3A_108] {strides = array<i32>} : memref<3072xf32, #tpu.memory_space<vmem>>, vector<16xf32>,
          %add3A_110 = arith.constant 512 : i32
          %add3A_111 = arith.addi %add3A_110, %mul3A_105 : i32
          %get3A_112 = arith.index_cast %add3A_111 : i32 to index
          %get3A_113 = tpu.vector_load %arg7[%get3A_112] {strides = array<i32>} : memref<3072xf32, #tpu.memory_space<vmem>>, vector<16xf32>,
          %add3A_114 = arith.constant 1024 : i32
          %add3A_115 = arith.addi %add3A_114, %mul3A_105 : i32
          %get3A_116 = arith.index_cast %add3A_115 : i32 to index
          %get3A_117 = tpu.vector_load %arg7[%get3A_116] {strides = array<i32>} : memref<3072xf32, #tpu.memory_space<vmem>>, vector<16xf32>,
          %sub3A = arith.constant 1.000000e+00 : f32
          %sub3A_118 = vector.broadcast %sub3A : f32 to vector<16xf32>
          %sub3A_119 = arith.subf %sub3A_118, %get3A_109 : vector<16xf32>
          %sub3A_120 = arith.constant 1.000000e+00 : f32
          %sub3A_121 = vector.broadcast %sub3A_120 : f32 to vector<16xf32>
          %sub3A_122 = arith.subf %sub3A_121, %get3A_113 : vector<16xf32>
          %sub3A_123 = arith.constant 1.000000e+00 : f32
          %sub3A_124 = vector.broadcast %sub3A_123 : f32 to vector<16xf32>
          %sub3A_125 = arith.subf %sub3A_124, %get3A_117 : vector<16xf32>
          %mul3A_126 = arith.mulf %sub3A_119, %sub3A_122 : vector<16xf32>
          %mul3A_127 = arith.mulf %sub3A_119, %get3A_113 : vector<16xf32>
          %mul3A_128 = arith.mulf %get3A_109, %sub3A_122 : vector<16xf32>
          %mul3A_129 = arith.mulf %get3A_109, %get3A_113 : vector<16xf32>
          %broadcast_in_dim3A = arith.constant 0.000000e+00 : f32
          %broadcast_in_dim3A_130 = vector.broadcast %broadcast_in_dim3A : f32 to vector<16xf32>
          %broadcast_in_dim3A_131 = arith.constant 0.000000e+00 : f32
          %broadcast_in_dim3A_132 = vector.broadcast %broadcast_in_dim3A_131 : f32 to vector<16xf32>
          %mul3A_133 = arith.mulf %mul3A_126, %sub3A_125 : vector<16xf32>
          %iota3A = tpu.iota {dimensions = array<i32: 0>} : vector<16xi32>
          %add3A_134 = vector.broadcast %mul3A_105 : i32 to vector<16xi32>
          %add3A_135 = arith.addi %iota3A, %add3A_134 : vector<16xi32>
          %mul3A_136 = arith.constant 2 : i32
          %mul3A_137 = vector.broadcast %mul3A_136 : i32 to vector<16xi32>
          %mul3A_138 = arith.muli %add3A_135, %mul3A_137 : vector<16xi32>
          %add3A_139 = arith.constant 0 : i32
          %add3A_140 = vector.broadcast %add3A_139 : i32 to vector<16xi32>
          %add3A_141 = arith.addi %mul3A_138, %add3A_140 : vector<16xi32>
          %gather3A = tpu.vector_load_idx %arg9[%add3A_141] : memref<16384xf32, #tpu.memory_space<vmem>>[vector<16xi32>], vector<16xf32>,
          %add3A_142 = arith.constant 1 : i32
          %add3A_143 = vector.broadcast %add3A_142 : i32 to vector<16xi32>
          %add3A_144 = arith.addi %add3A_141, %add3A_143 : vector<16xi32>
          %gather3A_145 = tpu.vector_load_idx %arg9[%add3A_144] : memref<16384xf32, #tpu.memory_space<vmem>>[vector<16xi32>], vector<16xf32>,
          %mul3A_146 = arith.mulf %gather3A, %mul3A_133 : vector<16xf32>
          %add3A_147 = arith.addf %broadcast_in_dim3A_130, %mul3A_146 : vector<16xf32>
          %mul3A_148 = arith.mulf %gather3A_145, %mul3A_133 : vector<16xf32>
          %add3A_149 = arith.addf %broadcast_in_dim3A_132, %mul3A_148 : vector<16xf32>
          %mul3A_150 = arith.mulf %mul3A_126, %get3A_117 : vector<16xf32>
          %iota3A_151 = tpu.iota {dimensions = array<i32: 0>} : vector<16xi32>
          %add3A_152 = vector.broadcast %mul3A_105 : i32 to vector<16xi32>
          %add3A_153 = arith.addi %iota3A_151, %add3A_152 : vector<16xi32>
          %mul3A_154 = arith.constant 2 : i32
          %mul3A_155 = vector.broadcast %mul3A_154 : i32 to vector<16xi32>
          %mul3A_156 = arith.muli %add3A_153, %mul3A_155 : vector<16xi32>
          %add3A_157 = arith.constant 1024 : i32
          %add3A_158 = vector.broadcast %add3A_157 : i32 to vector<16xi32>
          %add3A_159 = arith.addi %mul3A_156, %add3A_158 : vector<16xi32>
          %gather3A_160 = tpu.vector_load_idx %arg9[%add3A_159] : memref<16384xf32, #tpu.memory_space<vmem>>[vector<16xi32>], vector<16xf32>,
          %add3A_161 = arith.constant 1 : i32
          %add3A_162 = vector.broadcast %add3A_161 : i32 to vector<16xi32>
          %add3A_163 = arith.addi %add3A_159, %add3A_162 : vector<16xi32>
          %gather3A_164 = tpu.vector_load_idx %arg9[%add3A_163] : memref<16384xf32, #tpu.memory_space<vmem>>[vector<16xi32>], vector<16xf32>,
          %mul3A_165 = arith.mulf %gather3A_160, %mul3A_150 : vector<16xf32>
          %add3A_166 = arith.addf %add3A_147, %mul3A_165 : vector<16xf32>
          %mul3A_167 = arith.mulf %gather3A_164, %mul3A_150 : vector<16xf32>
          %add3A_168 = arith.addf %add3A_149, %mul3A_167 : vector<16xf32>
          %mul3A_169 = arith.mulf %mul3A_127, %sub3A_125 : vector<16xf32>
          %iota3A_170 = tpu.iota {dimensions = array<i32: 0>} : vector<16xi32>
          %add3A_171 = vector.broadcast %mul3A_105 : i32 to vector<16xi32>
          %add3A_172 = arith.addi %iota3A_170, %add3A_171 : vector<16xi32>
          %mul3A_173 = arith.constant 2 : i32
          %mul3A_174 = vector.broadcast %mul3A_173 : i32 to vector<16xi32>
          %mul3A_175 = arith.muli %add3A_172, %mul3A_174 : vector<16xi32>
          %add3A_176 = arith.constant 2048 : i32
          %add3A_177 = vector.broadcast %add3A_176 : i32 to vector<16xi32>
          %add3A_178 = arith.addi %mul3A_175, %add3A_177 : vector<16xi32>
          %gather3A_179 = tpu.vector_load_idx %arg9[%add3A_178] : memref<16384xf32, #tpu.memory_space<vmem>>[vector<16xi32>], vector<16xf32>,
          %add3A_180 = arith.constant 1 : i32
          %add3A_181 = vector.broadcast %add3A_180 : i32 to vector<16xi32>
          %add3A_182 = arith.addi %add3A_178, %add3A_181 : vector<16xi32>
          %gather3A_183 = tpu.vector_load_idx %arg9[%add3A_182] : memref<16384xf32, #tpu.memory_space<vmem>>[vector<16xi32>], vector<16xf32>,
          %mul3A_184 = arith.mulf %gather3A_179, %mul3A_169 : vector<16xf32>
          %add3A_185 = arith.addf %add3A_166, %mul3A_184 : vector<16xf32>
          %mul3A_186 = arith.mulf %gather3A_183, %mul3A_169 : vector<16xf32>
          %add3A_187 = arith.addf %add3A_168, %mul3A_186 : vector<16xf32>
          %mul3A_188 = arith.mulf %mul3A_127, %get3A_117 : vector<16xf32>
          %iota3A_189 = tpu.iota {dimensions = array<i32: 0>} : vector<16xi32>
          %add3A_190 = vector.broadcast %mul3A_105 : i32 to vector<16xi32>
          %add3A_191 = arith.addi %iota3A_189, %add3A_190 : vector<16xi32>
          %mul3A_192 = arith.constant 2 : i32
          %mul3A_193 = vector.broadcast %mul3A_192 : i32 to vector<16xi32>
          %mul3A_194 = arith.muli %add3A_191, %mul3A_193 : vector<16xi32>
          %add3A_195 = arith.constant 3072 : i32
          %add3A_196 = vector.broadcast %add3A_195 : i32 to vector<16xi32>
          %add3A_197 = arith.addi %mul3A_194, %add3A_196 : vector<16xi32>
          %gather3A_198 = tpu.vector_load_idx %arg9[%add3A_197] : memref<16384xf32, #tpu.memory_space<vmem>>[vector<16xi32>], vector<16xf32>,
          %add3A_199 = arith.constant 1 : i32
          %add3A_200 = vector.broadcast %add3A_199 : i32 to vector<16xi32>
          %add3A_201 = arith.addi %add3A_197, %add3A_200 : vector<16xi32>
          %gather3A_202 = tpu.vector_load_idx %arg9[%add3A_201] : memref<16384xf32, #tpu.memory_space<vmem>>[vector<16xi32>], vector<16xf32>,
          %mul3A_203 = arith.mulf %gather3A_198, %mul3A_188 : vector<16xf32>
          %add3A_204 = arith.addf %add3A_185, %mul3A_203 : vector<16xf32>
          %mul3A_205 = arith.mulf %gather3A_202, %mul3A_188 : vector<16xf32>
          %add3A_206 = arith.addf %add3A_187, %mul3A_205 : vector<16xf32>
          %mul3A_207 = arith.mulf %mul3A_128, %sub3A_125 : vector<16xf32>
          %iota3A_208 = tpu.iota {dimensions = array<i32: 0>} : vector<16xi32>
          %add3A_209 = vector.broadcast %mul3A_105 : i32 to vector<16xi32>
          %add3A_210 = arith.addi %iota3A_208, %add3A_209 : vector<16xi32>
          %mul3A_211 = arith.constant 2 : i32
          %mul3A_212 = vector.broadcast %mul3A_211 : i32 to vector<16xi32>
          %mul3A_213 = arith.muli %add3A_210, %mul3A_212 : vector<16xi32>
          %add3A_214 = arith.constant 4096 : i32
          %add3A_215 = vector.broadcast %add3A_214 : i32 to vector<16xi32>
          %add3A_216 = arith.addi %mul3A_213, %add3A_215 : vector<16xi32>
          %gather3A_217 = tpu.vector_load_idx %arg9[%add3A_216] : memref<16384xf32, #tpu.memory_space<vmem>>[vector<16xi32>], vector<16xf32>,
          %add3A_218 = arith.constant 1 : i32
          %add3A_219 = vector.broadcast %add3A_218 : i32 to vector<16xi32>
          %add3A_220 = arith.addi %add3A_216, %add3A_219 : vector<16xi32>
          %gather3A_221 = tpu.vector_load_idx %arg9[%add3A_220] : memref<16384xf32, #tpu.memory_space<vmem>>[vector<16xi32>], vector<16xf32>,
          %mul3A_222 = arith.mulf %gather3A_217, %mul3A_207 : vector<16xf32>
          %add3A_223 = arith.addf %add3A_204, %mul3A_222 : vector<16xf32>
          %mul3A_224 = arith.mulf %gather3A_221, %mul3A_207 : vector<16xf32>
          %add3A_225 = arith.addf %add3A_206, %mul3A_224 : vector<16xf32>
          %mul3A_226 = arith.mulf %mul3A_128, %get3A_117 : vector<16xf32>
          %iota3A_227 = tpu.iota {dimensions = array<i32: 0>} : vector<16xi32>
          %add3A_228 = vector.broadcast %mul3A_105 : i32 to vector<16xi32>
          %add3A_229 = arith.addi %iota3A_227, %add3A_228 : vector<16xi32>
          %mul3A_230 = arith.constant 2 : i32
          %mul3A_231 = vector.broadcast %mul3A_230 : i32 to vector<16xi32>
          %mul3A_232 = arith.muli %add3A_229, %mul3A_231 : vector<16xi32>
          %add3A_233 = arith.constant 5120 : i32
          %add3A_234 = vector.broadcast %add3A_233 : i32 to vector<16xi32>
          %add3A_235 = arith.addi %mul3A_232, %add3A_234 : vector<16xi32>
          %gather3A_236 = tpu.vector_load_idx %arg9[%add3A_235] : memref<16384xf32, #tpu.memory_space<vmem>>[vector<16xi32>], vector<16xf32>,
          %add3A_237 = arith.constant 1 : i32
          %add3A_238 = vector.broadcast %add3A_237 : i32 to vector<16xi32>
          %add3A_239 = arith.addi %add3A_235, %add3A_238 : vector<16xi32>
          %gather3A_240 = tpu.vector_load_idx %arg9[%add3A_239] : memref<16384xf32, #tpu.memory_space<vmem>>[vector<16xi32>], vector<16xf32>,
          %mul3A_241 = arith.mulf %gather3A_236, %mul3A_226 : vector<16xf32>
          %add3A_242 = arith.addf %add3A_223, %mul3A_241 : vector<16xf32>
          %mul3A_243 = arith.mulf %gather3A_240, %mul3A_226 : vector<16xf32>
          %add3A_244 = arith.addf %add3A_225, %mul3A_243 : vector<16xf32>
          %mul3A_245 = arith.mulf %mul3A_129, %sub3A_125 : vector<16xf32>
          %iota3A_246 = tpu.iota {dimensions = array<i32: 0>} : vector<16xi32>
          %add3A_247 = vector.broadcast %mul3A_105 : i32 to vector<16xi32>
          %add3A_248 = arith.addi %iota3A_246, %add3A_247 : vector<16xi32>
          %mul3A_249 = arith.constant 2 : i32
          %mul3A_250 = vector.broadcast %mul3A_249 : i32 to vector<16xi32>
          %mul3A_251 = arith.muli %add3A_248, %mul3A_250 : vector<16xi32>
          %add3A_252 = arith.constant 6144 : i32
          %add3A_253 = vector.broadcast %add3A_252 : i32 to vector<16xi32>
          %add3A_254 = arith.addi %mul3A_251, %add3A_253 : vector<16xi32>
          %gather3A_255 = tpu.vector_load_idx %arg9[%add3A_254] : memref<16384xf32, #tpu.memory_space<vmem>>[vector<16xi32>], vector<16xf32>,
          %add3A_256 = arith.constant 1 : i32
          %add3A_257 = vector.broadcast %add3A_256 : i32 to vector<16xi32>
          %add3A_258 = arith.addi %add3A_254, %add3A_257 : vector<16xi32>
          %gather3A_259 = tpu.vector_load_idx %arg9[%add3A_258] : memref<16384xf32, #tpu.memory_space<vmem>>[vector<16xi32>], vector<16xf32>,
          %mul3A_260 = arith.mulf %gather3A_255, %mul3A_245 : vector<16xf32>
          %add3A_261 = arith.addf %add3A_242, %mul3A_260 : vector<16xf32>
          %mul3A_262 = arith.mulf %gather3A_259, %mul3A_245 : vector<16xf32>
          %add3A_263 = arith.addf %add3A_244, %mul3A_262 : vector<16xf32>
          %mul3A_264 = arith.mulf %mul3A_129, %get3A_117 : vector<16xf32>
          %iota3A_265 = tpu.iota {dimensions = array<i32: 0>} : vector<16xi32>
          %add3A_266 = vector.broadcast %mul3A_105 : i32 to vector<16xi32>
          %add3A_267 = arith.addi %iota3A_265, %add3A_266 : vector<16xi32>
          %mul3A_268 = arith.constant 2 : i32
          %mul3A_269 = vector.broadcast %mul3A_268 : i32 to vector<16xi32>
          %mul3A_270 = arith.muli %add3A_267, %mul3A_269 : vector<16xi32>
          %add3A_271 = arith.constant 7168 : i32
          %add3A_272 = vector.broadcast %add3A_271 : i32 to vector<16xi32>
          %add3A_273 = arith.addi %mul3A_270, %add3A_272 : vector<16xi32>
          %gather3A_274 = tpu.vector_load_idx %arg9[%add3A_273] : memref<16384xf32, #tpu.memory_space<vmem>>[vector<16xi32>], vector<16xf32>,
          %add3A_275 = arith.constant 1 : i32
          %add3A_276 = vector.broadcast %add3A_275 : i32 to vector<16xi32>
          %add3A_277 = arith.addi %add3A_273, %add3A_276 : vector<16xi32>
          %gather3A_278 = tpu.vector_load_idx %arg9[%add3A_277] : memref<16384xf32, #tpu.memory_space<vmem>>[vector<16xi32>], vector<16xf32>,
          %mul3A_279 = arith.mulf %gather3A_274, %mul3A_264 : vector<16xf32>
          %add3A_280 = arith.addf %add3A_261, %mul3A_279 : vector<16xf32>
          %mul3A_281 = arith.mulf %gather3A_278, %mul3A_264 : vector<16xf32>
          %add3A_282 = arith.addf %add3A_263, %mul3A_281 : vector<16xf32>
          %mul3A_283 = arith.constant 2 : i32
          %mul3A_284 = arith.muli %mul3A_32, %mul3A_283 : i32
          %mul3A_285 = arith.constant 512 : i32
          %mul3A_286 = arith.muli %mul3A_284, %mul3A_285 : i32
          %add3A_287 = arith.addi %mul3A_286, %mul3A_105 : i32
          %swap3A = arith.index_cast %add3A_287 : i32 to index
          %swap3A_288 = tpu.vector_load %arg10[%swap3A] {strides = array<i32>} : memref<16384xf32, #tpu.memory_space<vmem>>, vector<16xf32>,
          tpu.vector_store %arg10[%swap3A], %add3A_280 {strides = array<i32>} : memref<16384xf32, #tpu.memory_space<vmem>>, vector<16xf32>,
          %mul3A_289 = arith.constant 2 : i32
          %mul3A_290 = arith.muli %mul3A_32, %mul3A_289 : i32
          %mul3A_291 = arith.constant 512 : i32
          %mul3A_292 = arith.muli %mul3A_290, %mul3A_291 : i32
          %add3A_293 = arith.constant 512 : i32
          %add3A_294 = arith.addi %mul3A_292, %add3A_293 : i32
          %add3A_295 = arith.addi %add3A_294, %mul3A_105 : i32
          %swap3A_296 = arith.index_cast %add3A_295 : i32 to index
          %swap3A_297 = tpu.vector_load %arg10[%swap3A_296] {strides = array<i32>} : memref<16384xf32, #tpu.memory_space<vmem>>, vector<16xf32>,
          tpu.vector_store %arg10[%swap3A_296], %add3A_282 {strides = array<i32>} : memref<16384xf32, #tpu.memory_space<vmem>>, vector<16xf32>,
        }
        %scan3A_88 = arith.constant 32 : i32
        %dma_wait3A_89 = arith.constant 8192 : i32
        %dma_wait3A_90 = tpu.memref_slice %arg9[%dma_wait3A_89] : memref<16384xf32, #tpu.memory_space<vmem>> -> memref<8192xf32, #tpu.memory_space<vmem>>
        %dma_wait3A_91 = arith.constant 8192 : i32
        %dma_wait3A_92 = tpu.memref_slice %arg8[%dma_wait3A_91] : memref<16384xi32, #tpu.memory_space<vmem>> -> memref<8192xi32, #tpu.memory_space<vmem>>
        %dma_wait3A_93 = arith.constant 0 : i32
        %dma_wait3A_94 = tpu.memref_slice %arg3[%dma_wait3A_93] : memref<16777216xf32, #tpu.memory_space<hbm>> -> memref<16777216xf32, #tpu.memory_space<hbm>>
        tpu.wait_indirect_dma semaphore(%arg13 : memref<!tpu.dma_semaphore, #tpu.memory_space<semaphore_mem>>) src(%dma_wait3A_94 : memref<16777216xf32, #tpu.memory_space<hbm>>) dst(%dma_wait3A_90 : memref<8192xf32, #tpu.memory_space<vmem>>)
        %add3A_95 = arith.constant 1 : i32
        %add3A_96 = arith.addi %mul3A_32, %add3A_95 : i32
        %scan3A_97 = arith.constant 0 : i32
        %scan3A_98 = arith.constant 0 : i32
        %scan3A_99 = arith.constant 32 : i32
        %scan3A_100 = arith.addi %scan3A_98, %scan3A_99 : i32
        %scan3A_101 = arith.constant 1 : i32
        scf.for %scan3A_103 = %scan3A_98 to %scan3A_100 step %scan3A_101  : i32 {
          %mul3A_104 = arith.constant 16 : i32
          %mul3A_105 = arith.muli %scan3A_103, %mul3A_104 : i32
          %add3A_106 = arith.constant 1536 : i32
          %add3A_107 = arith.addi %add3A_106, %mul3A_105 : i32
          %get3A_108 = arith.index_cast %add3A_107 : i32 to index
          %get3A_109 = tpu.vector_load %arg7[%get3A_108] {strides = array<i32>} : memref<3072xf32, #tpu.memory_space<vmem>>, vector<16xf32>,
          %add3A_110 = arith.constant 2048 : i32
          %add3A_111 = arith.addi %add3A_110, %mul3A_105 : i32
          %get3A_112 = arith.index_cast %add3A_111 : i32 to index
          %get3A_113 = tpu.vector_load %arg7[%get3A_112] {strides = array<i32>} : memref<3072xf32, #tpu.memory_space<vmem>>, vector<16xf32>,
          %add3A_114 = arith.constant 2560 : i32
          %add3A_115 = arith.addi %add3A_114, %mul3A_105 : i32
          %get3A_116 = arith.index_cast %add3A_115 : i32 to index
          %get3A_117 = tpu.vector_load %arg7[%get3A_116] {strides = array<i32>} : memref<3072xf32, #tpu.memory_space<vmem>>, vector<16xf32>,
          %sub3A = arith.constant 1.000000e+00 : f32
          %sub3A_118 = vector.broadcast %sub3A : f32 to vector<16xf32>
          %sub3A_119 = arith.subf %sub3A_118, %get3A_109 : vector<16xf32>
          %sub3A_120 = arith.constant 1.000000e+00 : f32
          %sub3A_121 = vector.broadcast %sub3A_120 : f32 to vector<16xf32>
          %sub3A_122 = arith.subf %sub3A_121, %get3A_113 : vector<16xf32>
          %sub3A_123 = arith.constant 1.000000e+00 : f32
          %sub3A_124 = vector.broadcast %sub3A_123 : f32 to vector<16xf32>
          %sub3A_125 = arith.subf %sub3A_124, %get3A_117 : vector<16xf32>
          %mul3A_126 = arith.mulf %sub3A_119, %sub3A_122 : vector<16xf32>
          %mul3A_127 = arith.mulf %sub3A_119, %get3A_113 : vector<16xf32>
          %mul3A_128 = arith.mulf %get3A_109, %sub3A_122 : vector<16xf32>
          %mul3A_129 = arith.mulf %get3A_109, %get3A_113 : vector<16xf32>
          %broadcast_in_dim3A = arith.constant 0.000000e+00 : f32
          %broadcast_in_dim3A_130 = vector.broadcast %broadcast_in_dim3A : f32 to vector<16xf32>
          %broadcast_in_dim3A_131 = arith.constant 0.000000e+00 : f32
          %broadcast_in_dim3A_132 = vector.broadcast %broadcast_in_dim3A_131 : f32 to vector<16xf32>
          %mul3A_133 = arith.mulf %mul3A_126, %sub3A_125 : vector<16xf32>
          %iota3A = tpu.iota {dimensions = array<i32: 0>} : vector<16xi32>
          %add3A_134 = vector.broadcast %mul3A_105 : i32 to vector<16xi32>
          %add3A_135 = arith.addi %iota3A, %add3A_134 : vector<16xi32>
          %mul3A_136 = arith.constant 2 : i32
          %mul3A_137 = vector.broadcast %mul3A_136 : i32 to vector<16xi32>
          %mul3A_138 = arith.muli %add3A_135, %mul3A_137 : vector<16xi32>
          %add3A_139 = arith.constant 8192 : i32
          %add3A_140 = vector.broadcast %add3A_139 : i32 to vector<16xi32>
          %add3A_141 = arith.addi %mul3A_138, %add3A_140 : vector<16xi32>
          %gather3A = tpu.vector_load_idx %arg9[%add3A_141] : memref<16384xf32, #tpu.memory_space<vmem>>[vector<16xi32>], vector<16xf32>,
          %add3A_142 = arith.constant 1 : i32
          %add3A_143 = vector.broadcast %add3A_142 : i32 to vector<16xi32>
          %add3A_144 = arith.addi %add3A_141, %add3A_143 : vector<16xi32>
          %gather3A_145 = tpu.vector_load_idx %arg9[%add3A_144] : memref<16384xf32, #tpu.memory_space<vmem>>[vector<16xi32>], vector<16xf32>,
          %mul3A_146 = arith.mulf %gather3A, %mul3A_133 : vector<16xf32>
          %add3A_147 = arith.addf %broadcast_in_dim3A_130, %mul3A_146 : vector<16xf32>
          %mul3A_148 = arith.mulf %gather3A_145, %mul3A_133 : vector<16xf32>
          %add3A_149 = arith.addf %broadcast_in_dim3A_132, %mul3A_148 : vector<16xf32>
          %mul3A_150 = arith.mulf %mul3A_126, %get3A_117 : vector<16xf32>
          %iota3A_151 = tpu.iota {dimensions = array<i32: 0>} : vector<16xi32>
          %add3A_152 = vector.broadcast %mul3A_105 : i32 to vector<16xi32>
          %add3A_153 = arith.addi %iota3A_151, %add3A_152 : vector<16xi32>
          %mul3A_154 = arith.constant 2 : i32
          %mul3A_155 = vector.broadcast %mul3A_154 : i32 to vector<16xi32>
          %mul3A_156 = arith.muli %add3A_153, %mul3A_155 : vector<16xi32>
          %add3A_157 = arith.constant 9216 : i32
          %add3A_158 = vector.broadcast %add3A_157 : i32 to vector<16xi32>
          %add3A_159 = arith.addi %mul3A_156, %add3A_158 : vector<16xi32>
          %gather3A_160 = tpu.vector_load_idx %arg9[%add3A_159] : memref<16384xf32, #tpu.memory_space<vmem>>[vector<16xi32>], vector<16xf32>,
          %add3A_161 = arith.constant 1 : i32
          %add3A_162 = vector.broadcast %add3A_161 : i32 to vector<16xi32>
          %add3A_163 = arith.addi %add3A_159, %add3A_162 : vector<16xi32>
          %gather3A_164 = tpu.vector_load_idx %arg9[%add3A_163] : memref<16384xf32, #tpu.memory_space<vmem>>[vector<16xi32>], vector<16xf32>,
          %mul3A_165 = arith.mulf %gather3A_160, %mul3A_150 : vector<16xf32>
          %add3A_166 = arith.addf %add3A_147, %mul3A_165 : vector<16xf32>
          %mul3A_167 = arith.mulf %gather3A_164, %mul3A_150 : vector<16xf32>
          %add3A_168 = arith.addf %add3A_149, %mul3A_167 : vector<16xf32>
          %mul3A_169 = arith.mulf %mul3A_127, %sub3A_125 : vector<16xf32>
          %iota3A_170 = tpu.iota {dimensions = array<i32: 0>} : vector<16xi32>
          %add3A_171 = vector.broadcast %mul3A_105 : i32 to vector<16xi32>
          %add3A_172 = arith.addi %iota3A_170, %add3A_171 : vector<16xi32>
          %mul3A_173 = arith.constant 2 : i32
          %mul3A_174 = vector.broadcast %mul3A_173 : i32 to vector<16xi32>
          %mul3A_175 = arith.muli %add3A_172, %mul3A_174 : vector<16xi32>
          %add3A_176 = arith.constant 10240 : i32
          %add3A_177 = vector.broadcast %add3A_176 : i32 to vector<16xi32>
          %add3A_178 = arith.addi %mul3A_175, %add3A_177 : vector<16xi32>
          %gather3A_179 = tpu.vector_load_idx %arg9[%add3A_178] : memref<16384xf32, #tpu.memory_space<vmem>>[vector<16xi32>], vector<16xf32>,
          %add3A_180 = arith.constant 1 : i32
          %add3A_181 = vector.broadcast %add3A_180 : i32 to vector<16xi32>
          %add3A_182 = arith.addi %add3A_178, %add3A_181 : vector<16xi32>
          %gather3A_183 = tpu.vector_load_idx %arg9[%add3A_182] : memref<16384xf32, #tpu.memory_space<vmem>>[vector<16xi32>], vector<16xf32>,
          %mul3A_184 = arith.mulf %gather3A_179, %mul3A_169 : vector<16xf32>
          %add3A_185 = arith.addf %add3A_166, %mul3A_184 : vector<16xf32>
          %mul3A_186 = arith.mulf %gather3A_183, %mul3A_169 : vector<16xf32>
          %add3A_187 = arith.addf %add3A_168, %mul3A_186 : vector<16xf32>
          %mul3A_188 = arith.mulf %mul3A_127, %get3A_117 : vector<16xf32>
          %iota3A_189 = tpu.iota {dimensions = array<i32: 0>} : vector<16xi32>
          %add3A_190 = vector.broadcast %mul3A_105 : i32 to vector<16xi32>
          %add3A_191 = arith.addi %iota3A_189, %add3A_190 : vector<16xi32>
          %mul3A_192 = arith.constant 2 : i32
          %mul3A_193 = vector.broadcast %mul3A_192 : i32 to vector<16xi32>
          %mul3A_194 = arith.muli %add3A_191, %mul3A_193 : vector<16xi32>
          %add3A_195 = arith.constant 11264 : i32
          %add3A_196 = vector.broadcast %add3A_195 : i32 to vector<16xi32>
          %add3A_197 = arith.addi %mul3A_194, %add3A_196 : vector<16xi32>
          %gather3A_198 = tpu.vector_load_idx %arg9[%add3A_197] : memref<16384xf32, #tpu.memory_space<vmem>>[vector<16xi32>], vector<16xf32>,
          %add3A_199 = arith.constant 1 : i32
          %add3A_200 = vector.broadcast %add3A_199 : i32 to vector<16xi32>
          %add3A_201 = arith.addi %add3A_197, %add3A_200 : vector<16xi32>
          %gather3A_202 = tpu.vector_load_idx %arg9[%add3A_201] : memref<16384xf32, #tpu.memory_space<vmem>>[vector<16xi32>], vector<16xf32>,
          %mul3A_203 = arith.mulf %gather3A_198, %mul3A_188 : vector<16xf32>
          %add3A_204 = arith.addf %add3A_185, %mul3A_203 : vector<16xf32>
          %mul3A_205 = arith.mulf %gather3A_202, %mul3A_188 : vector<16xf32>
          %add3A_206 = arith.addf %add3A_187, %mul3A_205 : vector<16xf32>
          %mul3A_207 = arith.mulf %mul3A_128, %sub3A_125 : vector<16xf32>
          %iota3A_208 = tpu.iota {dimensions = array<i32: 0>} : vector<16xi32>
          %add3A_209 = vector.broadcast %mul3A_105 : i32 to vector<16xi32>
          %add3A_210 = arith.addi %iota3A_208, %add3A_209 : vector<16xi32>
          %mul3A_211 = arith.constant 2 : i32
          %mul3A_212 = vector.broadcast %mul3A_211 : i32 to vector<16xi32>
          %mul3A_213 = arith.muli %add3A_210, %mul3A_212 : vector<16xi32>
          %add3A_214 = arith.constant 12288 : i32
          %add3A_215 = vector.broadcast %add3A_214 : i32 to vector<16xi32>
          %add3A_216 = arith.addi %mul3A_213, %add3A_215 : vector<16xi32>
          %gather3A_217 = tpu.vector_load_idx %arg9[%add3A_216] : memref<16384xf32, #tpu.memory_space<vmem>>[vector<16xi32>], vector<16xf32>,
          %add3A_218 = arith.constant 1 : i32
          %add3A_219 = vector.broadcast %add3A_218 : i32 to vector<16xi32>
          %add3A_220 = arith.addi %add3A_216, %add3A_219 : vector<16xi32>
          %gather3A_221 = tpu.vector_load_idx %arg9[%add3A_220] : memref<16384xf32, #tpu.memory_space<vmem>>[vector<16xi32>], vector<16xf32>,
          %mul3A_222 = arith.mulf %gather3A_217, %mul3A_207 : vector<16xf32>
          %add3A_223 = arith.addf %add3A_204, %mul3A_222 : vector<16xf32>
          %mul3A_224 = arith.mulf %gather3A_221, %mul3A_207 : vector<16xf32>
          %add3A_225 = arith.addf %add3A_206, %mul3A_224 : vector<16xf32>
          %mul3A_226 = arith.mulf %mul3A_128, %get3A_117 : vector<16xf32>
          %iota3A_227 = tpu.iota {dimensions = array<i32: 0>} : vector<16xi32>
          %add3A_228 = vector.broadcast %mul3A_105 : i32 to vector<16xi32>
          %add3A_229 = arith.addi %iota3A_227, %add3A_228 : vector<16xi32>
          %mul3A_230 = arith.constant 2 : i32
          %mul3A_231 = vector.broadcast %mul3A_230 : i32 to vector<16xi32>
          %mul3A_232 = arith.muli %add3A_229, %mul3A_231 : vector<16xi32>
          %add3A_233 = arith.constant 13312 : i32
          %add3A_234 = vector.broadcast %add3A_233 : i32 to vector<16xi32>
          %add3A_235 = arith.addi %mul3A_232, %add3A_234 : vector<16xi32>
          %gather3A_236 = tpu.vector_load_idx %arg9[%add3A_235] : memref<16384xf32, #tpu.memory_space<vmem>>[vector<16xi32>], vector<16xf32>,
          %add3A_237 = arith.constant 1 : i32
          %add3A_238 = vector.broadcast %add3A_237 : i32 to vector<16xi32>
          %add3A_239 = arith.addi %add3A_235, %add3A_238 : vector<16xi32>
          %gather3A_240 = tpu.vector_load_idx %arg9[%add3A_239] : memref<16384xf32, #tpu.memory_space<vmem>>[vector<16xi32>], vector<16xf32>,
          %mul3A_241 = arith.mulf %gather3A_236, %mul3A_226 : vector<16xf32>
          %add3A_242 = arith.addf %add3A_223, %mul3A_241 : vector<16xf32>
          %mul3A_243 = arith.mulf %gather3A_240, %mul3A_226 : vector<16xf32>
          %add3A_244 = arith.addf %add3A_225, %mul3A_243 : vector<16xf32>
          %mul3A_245 = arith.mulf %mul3A_129, %sub3A_125 : vector<16xf32>
          %iota3A_246 = tpu.iota {dimensions = array<i32: 0>} : vector<16xi32>
          %add3A_247 = vector.broadcast %mul3A_105 : i32 to vector<16xi32>
          %add3A_248 = arith.addi %iota3A_246, %add3A_247 : vector<16xi32>
          %mul3A_249 = arith.constant 2 : i32
          %mul3A_250 = vector.broadcast %mul3A_249 : i32 to vector<16xi32>
          %mul3A_251 = arith.muli %add3A_248, %mul3A_250 : vector<16xi32>
          %add3A_252 = arith.constant 14336 : i32
          %add3A_253 = vector.broadcast %add3A_252 : i32 to vector<16xi32>
          %add3A_254 = arith.addi %mul3A_251, %add3A_253 : vector<16xi32>
          %gather3A_255 = tpu.vector_load_idx %arg9[%add3A_254] : memref<16384xf32, #tpu.memory_space<vmem>>[vector<16xi32>], vector<16xf32>,
          %add3A_256 = arith.constant 1 : i32
          %add3A_257 = vector.broadcast %add3A_256 : i32 to vector<16xi32>
          %add3A_258 = arith.addi %add3A_254, %add3A_257 : vector<16xi32>
          %gather3A_259 = tpu.vector_load_idx %arg9[%add3A_258] : memref<16384xf32, #tpu.memory_space<vmem>>[vector<16xi32>], vector<16xf32>,
          %mul3A_260 = arith.mulf %gather3A_255, %mul3A_245 : vector<16xf32>
          %add3A_261 = arith.addf %add3A_242, %mul3A_260 : vector<16xf32>
          %mul3A_262 = arith.mulf %gather3A_259, %mul3A_245 : vector<16xf32>
          %add3A_263 = arith.addf %add3A_244, %mul3A_262 : vector<16xf32>
          %mul3A_264 = arith.mulf %mul3A_129, %get3A_117 : vector<16xf32>
          %iota3A_265 = tpu.iota {dimensions = array<i32: 0>} : vector<16xi32>
          %add3A_266 = vector.broadcast %mul3A_105 : i32 to vector<16xi32>
          %add3A_267 = arith.addi %iota3A_265, %add3A_266 : vector<16xi32>
          %mul3A_268 = arith.constant 2 : i32
          %mul3A_269 = vector.broadcast %mul3A_268 : i32 to vector<16xi32>
          %mul3A_270 = arith.muli %add3A_267, %mul3A_269 : vector<16xi32>
          %add3A_271 = arith.constant 15360 : i32
          %add3A_272 = vector.broadcast %add3A_271 : i32 to vector<16xi32>
          %add3A_273 = arith.addi %mul3A_270, %add3A_272 : vector<16xi32>
          %gather3A_274 = tpu.vector_load_idx %arg9[%add3A_273] : memref<16384xf32, #tpu.memory_space<vmem>>[vector<16xi32>], vector<16xf32>,
          %add3A_275 = arith.constant 1 : i32
          %add3A_276 = vector.broadcast %add3A_275 : i32 to vector<16xi32>
          %add3A_277 = arith.addi %add3A_273, %add3A_276 : vector<16xi32>
          %gather3A_278 = tpu.vector_load_idx %arg9[%add3A_277] : memref<16384xf32, #tpu.memory_space<vmem>>[vector<16xi32>], vector<16xf32>,
          %mul3A_279 = arith.mulf %gather3A_274, %mul3A_264 : vector<16xf32>
          %add3A_280 = arith.addf %add3A_261, %mul3A_279 : vector<16xf32>
          %mul3A_281 = arith.mulf %gather3A_278, %mul3A_264 : vector<16xf32>
          %add3A_282 = arith.addf %add3A_263, %mul3A_281 : vector<16xf32>
          %mul3A_283 = arith.constant 2 : i32
          %mul3A_284 = arith.muli %add3A_96, %mul3A_283 : i32
          %mul3A_285 = arith.constant 512 : i32
          %mul3A_286 = arith.muli %mul3A_284, %mul3A_285 : i32
          %add3A_287 = arith.addi %mul3A_286, %mul3A_105 : i32
          %swap3A = arith.index_cast %add3A_287 : i32 to index
          %swap3A_288 = tpu.vector_load %arg10[%swap3A] {strides = array<i32>} : memref<16384xf32, #tpu.memory_space<vmem>>, vector<16xf32>,
          tpu.vector_store %arg10[%swap3A], %add3A_280 {strides = array<i32>} : memref<16384xf32, #tpu.memory_space<vmem>>, vector<16xf32>,
          %mul3A_289 = arith.constant 2 : i32
          %mul3A_290 = arith.muli %add3A_96, %mul3A_289 : i32
          %mul3A_291 = arith.constant 512 : i32
          %mul3A_292 = arith.muli %mul3A_290, %mul3A_291 : i32
          %add3A_293 = arith.constant 512 : i32
          %add3A_294 = arith.addi %mul3A_292, %add3A_293 : i32
          %add3A_295 = arith.addi %add3A_294, %mul3A_105 : i32
          %swap3A_296 = arith.index_cast %add3A_295 : i32 to index
          %swap3A_297 = tpu.vector_load %arg10[%swap3A_296] {strides = array<i32>} : memref<16384xf32, #tpu.memory_space<vmem>>, vector<16xf32>,
          tpu.vector_store %arg10[%swap3A_296], %add3A_282 {strides = array<i32>} : memref<16384xf32, #tpu.memory_space<vmem>>, vector<16xf32>,
        }
        %scan3A_102 = arith.constant 32 : i32
      }
      %scan3A_23 = arith.constant 8 : i32
      %scan3A_24 = arith.constant 0 : i32
      %scan3A_25 = arith.constant 0 : i32
      %scan3A_26 = arith.constant 32 : i32
      %scan3A_27 = arith.addi %scan3A_25, %scan3A_26 : i32
      %scan3A_28 = arith.constant 1 : i32
      scf.for %scan3A_30 = %scan3A_25 to %scan3A_27 step %scan3A_28  : i32 {
        %mul3A_31 = arith.constant 512 : i32
        %mul3A_32 = arith.muli %scan3A_30, %mul3A_31 : i32
        %mul3A_33 = arith.constant 131072 : i32
        %mul3A_34 = arith.muli %scan3A_30, %mul3A_33 : i32
        %add3A_35 = arith.addi %mul3A_34, %add3A_11 : i32
        "tpu.region"() ({
          %run_scoped3A = tpu.sem_alloc : memref<!tpu.dma_semaphore, #tpu.memory_space<semaphore_mem>>
          %dma_start3A = tpu.memref_slice %arg10[%mul3A_32] : memref<16384xf32, #tpu.memory_space<vmem>> -> memref<512xf32, #tpu.memory_space<vmem>>
          %dma_start3A_36 = tpu.memref_slice %arg5[%add3A_35] : memref<4194304xf32, #tpu.memory_space<hbm>> -> memref<512xf32, #tpu.memory_space<hbm>>
          %dma_start3A_37 = tpu.memref_slice %arg5[%add3A_35] : memref<4194304xf32, #tpu.memory_space<hbm>> -> memref<512xf32, #tpu.memory_space<hbm>>
          %dma_start3A_38 = tpu.memref_slice %arg10[%mul3A_32] : memref<16384xf32, #tpu.memory_space<vmem>> -> memref<512xf32, #tpu.memory_space<vmem>>
          tpu.enqueue_dma source(%dma_start3A_38 : memref<512xf32, #tpu.memory_space<vmem>>) target(%dma_start3A_37 : memref<512xf32, #tpu.memory_space<hbm>>) target_semaphore(%run_scoped3A : memref<!tpu.dma_semaphore, #tpu.memory_space<semaphore_mem>>)
          %dma_wait3A = tpu.memref_slice %arg10[%mul3A_32] : memref<16384xf32, #tpu.memory_space<vmem>> -> memref<512xf32, #tpu.memory_space<vmem>>
          %dma_wait3A_39 = tpu.memref_slice %arg5[%add3A_35] : memref<4194304xf32, #tpu.memory_space<hbm>> -> memref<512xf32, #tpu.memory_space<hbm>>
          %dma_wait3A_40 = tpu.memref_slice %arg5[%add3A_35] : memref<4194304xf32, #tpu.memory_space<hbm>> -> memref<512xf32, #tpu.memory_space<hbm>>
          %dma_wait3A_41 = tpu.memref_slice %arg10[%mul3A_32] : memref<16384xf32, #tpu.memory_space<vmem>> -> memref<512xf32, #tpu.memory_space<vmem>>
          tpu.wait_dma2 semaphore(%run_scoped3A : memref<!tpu.dma_semaphore, #tpu.memory_space<semaphore_mem>>) src(%dma_wait3A_41 : memref<512xf32, #tpu.memory_space<vmem>>) dst(%dma_wait3A_40 : memref<512xf32, #tpu.memory_space<hbm>>)
          tpu.yield
        }) : () -> ()
      }
      %scan3A_29 = arith.constant 32 : i32
    }
    %scan3A_7 = arith.constant 8 : i32
    return
  }
}

module attributes {stable_mosaic.version = 14 : i64} {
  func.func @_expert_body(%arg0: i32, %arg1: memref<1x12544x27xf32, #tpu.memory_space<vmem>>, %arg2: memref<27x64xf32, #tpu.memory_space<vmem>>, %arg3: memref<64x64xf32, #tpu.memory_space<vmem>>, %arg4: memref<1x64xf32, #tpu.memory_space<vmem>>, %arg5: memref<64x16xf32, #tpu.memory_space<vmem>>, %arg6: memref<1x16xf32, #tpu.memory_space<vmem>>, %arg7: memref<1x1x16xf32, #tpu.memory_space<vmem>>) attributes {dimension_semantics = [#tpu.dimension_semantics<arbitrary>], iteration_bounds = array<i64: 2>, scalar_prefetch = 0 : i64, scratch_operands = 0 : i64, tpu.core_type = #tpu.core_type<tc>, window_params = [{transform_indices = @transform_0, window_bounds = array<i64: 1, 12544, 27>}, {pipeline_mode = #tpu.pipeline_mode<synchronous>, transform_indices = @transform_1, window_bounds = array<i64: 27, 64>}, {pipeline_mode = #tpu.pipeline_mode<synchronous>, transform_indices = @transform_2, window_bounds = array<i64: 64, 64>}, {pipeline_mode = #tpu.pipeline_mode<synchronous>, transform_indices = @transform_3, window_bounds = array<i64: 1, 64>}, {pipeline_mode = #tpu.pipeline_mode<synchronous>, transform_indices = @transform_4, window_bounds = array<i64: 64, 16>}, {pipeline_mode = #tpu.pipeline_mode<synchronous>, transform_indices = @transform_5, window_bounds = array<i64: 1, 16>}, {transform_indices = @transform_6, window_bounds = array<i64: 1, 1, 16>}]} {
    %get3A = arith.constant 0 : index
    %get3A_0 = arith.constant 0 : index
    %get3A_1 = arith.constant 0 : index
    %get3A_2 = vector.load %arg1[%get3A, %get3A_0, %get3A_1] : memref<1x12544x27xf32, #tpu.memory_space<vmem>>, vector<1x12544x27xf32>
    %get3A_3 = vector.shape_cast %get3A_2 : vector<1x12544x27xf32> to vector<12544x27xf32>
    %get3A_4 = arith.constant 0 : index
    %get3A_5 = arith.constant 0 : index
    %get3A_6 = vector.load %arg2[%get3A_4, %get3A_5] : memref<27x64xf32, #tpu.memory_space<vmem>>, vector<27x64xf32>
    %dot_general3A = arith.constant dense<0.000000e+00> : vector<12544x64xf32>
    %dot_general3A_7 = tpu.matmul %get3A_3, %get3A_6, %dot_general3A {dimension_numbers = #tpu.dot_dimension_numbers<[1], [0], [0], [1], [0, 0, 1, 1], [], []>, transpose_lhs_hint = false} : vector<12544x27xf32>, vector<27x64xf32>, vector<12544x64xf32> -> vector<12544x64xf32>
    %max3A = arith.constant 0.000000e+00 : f32
    %max3A_8 = vector.broadcast %max3A : f32 to vector<12544x64xf32>
    %max3A_9 = arith.maximumf %dot_general3A_7, %max3A_8 : vector<12544x64xf32>
    %reduce_sum3A = arith.constant dense<0.000000e+00> : vector<64xf32>
    %reduce_sum3A_10 = vector.multi_reduction <add>, %max3A_9, %reduce_sum3A [0] : vector<12544x64xf32> to vector<64xf32>
    %broadcast_in_dim3A = vector.shape_cast %reduce_sum3A_10 : vector<64xf32> to vector<1x64xf32>
    %div3A = arith.constant 1.254400e+04 : f32
    %div3A_11 = vector.broadcast %div3A : f32 to vector<1x64xf32>
    %div3A_12 = arith.divf %broadcast_in_dim3A, %div3A_11 : vector<1x64xf32>
    %get3A_13 = arith.constant 0 : index
    %get3A_14 = arith.constant 0 : index
    %get3A_15 = vector.load %arg3[%get3A_13, %get3A_14] : memref<64x64xf32, #tpu.memory_space<vmem>>, vector<64x64xf32>
    %dot_general3A_16 = arith.constant dense<0.000000e+00> : vector<1x64xf32>
    %dot_general3A_17 = tpu.matmul %div3A_12, %get3A_15, %dot_general3A_16 {dimension_numbers = #tpu.dot_dimension_numbers<[1], [0], [0], [1], [0, 0, 1, 1], [], []>, transpose_lhs_hint = false} : vector<1x64xf32>, vector<64x64xf32>, vector<1x64xf32> -> vector<1x64xf32>
    %get3A_18 = arith.constant 0 : index
    %get3A_19 = arith.constant 0 : index
    %get3A_20 = vector.load %arg4[%get3A_18, %get3A_19] : memref<1x64xf32, #tpu.memory_space<vmem>>, vector<1x64xf32>
    %add3A = arith.addf %dot_general3A_17, %get3A_20 : vector<1x64xf32>
    %add3A_21 = arith.constant 3.000000e+00 : f32
    %add3A_22 = vector.broadcast %add3A_21 : f32 to vector<1x64xf32>
    %add3A_23 = arith.addf %add3A, %add3A_22 : vector<1x64xf32>
    %jit3A = arith.constant 0.000000e+00 : f32
    %jit3A_24 = arith.constant 6.000000e+00 : f32
    %max3A_25 = vector.broadcast %jit3A : f32 to vector<1x64xf32>
    %max3A_26 = arith.maximumf %max3A_25, %add3A_23 : vector<1x64xf32>
    %min3A = vector.broadcast %jit3A_24 : f32 to vector<1x64xf32>
    %min3A_27 = arith.minimumf %min3A, %max3A_26 : vector<1x64xf32>
    %mul3A = arith.mulf %add3A, %min3A_27 : vector<1x64xf32>
    %div3A_28 = arith.constant 6.000000e+00 : f32
    %div3A_29 = vector.broadcast %div3A_28 : f32 to vector<1x64xf32>
    %div3A_30 = arith.divf %mul3A, %div3A_29 : vector<1x64xf32>
    %get3A_31 = arith.constant 0 : index
    %get3A_32 = arith.constant 0 : index
    %get3A_33 = vector.load %arg5[%get3A_31, %get3A_32] : memref<64x16xf32, #tpu.memory_space<vmem>>, vector<64x16xf32>
    %dot_general3A_34 = arith.constant dense<0.000000e+00> : vector<1x16xf32>
    %dot_general3A_35 = tpu.matmul %div3A_30, %get3A_33, %dot_general3A_34 {dimension_numbers = #tpu.dot_dimension_numbers<[1], [0], [0], [1], [0, 0, 1, 1], [], []>, transpose_lhs_hint = false} : vector<1x64xf32>, vector<64x16xf32>, vector<1x16xf32> -> vector<1x16xf32>
    %get3A_36 = arith.constant 0 : index
    %get3A_37 = arith.constant 0 : index
    %get3A_38 = vector.load %arg6[%get3A_36, %get3A_37] : memref<1x16xf32, #tpu.memory_space<vmem>>, vector<1x16xf32>
    %add3A_39 = arith.addf %dot_general3A_35, %get3A_38 : vector<1x16xf32>
    %swap3A = arith.constant 0 : index
    %swap3A_40 = arith.constant 0 : index
    %swap3A_41 = arith.constant 0 : index
    %swap3A_42 = vector.load %arg7[%swap3A, %swap3A_40, %swap3A_41] : memref<1x1x16xf32, #tpu.memory_space<vmem>>, vector<1x1x16xf32>
    %swap3A_43 = vector.shape_cast %swap3A_42 : vector<1x1x16xf32> to vector<1x16xf32>
    %swap3A_44 = vector.shape_cast %add3A_39 : vector<1x16xf32> to vector<1x1x16xf32>
    tpu.vector_store %arg7[%swap3A, %swap3A_40, %swap3A_41], %swap3A_44 {strides = array<i32>} : memref<1x1x16xf32, #tpu.memory_space<vmem>>, vector<1x1x16xf32>,
    return
  }
  func.func @transform_0(%arg0: i32) -> (i32, i32, i32) {
    %c0_i32 = arith.constant 0 : i32
    %c0_i32_0 = arith.constant 0 : i32
    %c0_i32_1 = arith.constant 0 : i32
    return %arg0, %c0_i32, %c0_i32_0 : i32, i32, i32
  }
  func.func @transform_1(%arg0: i32) -> (i32, i32) {
    %c0_i32 = arith.constant 0 : i32
    %c0_i32_0 = arith.constant 0 : i32
    %c0_i32_1 = arith.constant 0 : i32
    return %c0_i32, %c0_i32_0 : i32, i32
  }
  func.func @transform_2(%arg0: i32) -> (i32, i32) {
    %c0_i32 = arith.constant 0 : i32
    %c0_i32_0 = arith.constant 0 : i32
    %c0_i32_1 = arith.constant 0 : i32
    return %c0_i32, %c0_i32_0 : i32, i32
  }
  func.func @transform_3(%arg0: i32) -> (i32, i32) {
    %c0_i32 = arith.constant 0 : i32
    %c0_i32_0 = arith.constant 0 : i32
    %c0_i32_1 = arith.constant 0 : i32
    return %c0_i32, %c0_i32_0 : i32, i32
  }
  func.func @transform_4(%arg0: i32) -> (i32, i32) {
    %c0_i32 = arith.constant 0 : i32
    %c0_i32_0 = arith.constant 0 : i32
    %c0_i32_1 = arith.constant 0 : i32
    return %c0_i32, %c0_i32_0 : i32, i32
  }
  func.func @transform_5(%arg0: i32) -> (i32, i32) {
    %c0_i32 = arith.constant 0 : i32
    %c0_i32_0 = arith.constant 0 : i32
    %c0_i32_1 = arith.constant 0 : i32
    return %c0_i32, %c0_i32_0 : i32, i32
  }
  func.func @transform_6(%arg0: i32) -> (i32, i32, i32) {
    %c0_i32 = arith.constant 0 : i32
    %c0_i32_0 = arith.constant 0 : i32
    %c0_i32_1 = arith.constant 0 : i32
    return %arg0, %c0_i32, %c0_i32_0 : i32, i32, i32
  }
}

module attributes {stable_mosaic.version = 14 : i64} {
  func.func @_mlp_body(%arg0: i32, %arg1: i32, %arg2: memref<32x8192xf32, #tpu.memory_space<vmem>>, %arg3: memref<32x32xf32, #tpu.memory_space<vmem>>, %arg4: memref<1x32x3xf32, #tpu.memory_space<vmem>>, %arg5: memref<1x8192x3xf32, #tpu.memory_space<vmem>>) attributes {dimension_semantics = [#tpu.dimension_semantics<arbitrary>, #tpu.dimension_semantics<arbitrary>], iteration_bounds = array<i64: 2, 8>, scalar_prefetch = 0 : i64, scratch_operands = 0 : i64, tpu.core_type = #tpu.core_type<tc>, window_params = [{transform_indices = @transform_0, window_bounds = array<i64: 32, 8192>}, {pipeline_mode = #tpu.pipeline_mode<synchronous>, transform_indices = @transform_1, window_bounds = array<i64: 32, 32>}, {transform_indices = @transform_2, window_bounds = array<i64: 1, 32, 3>}, {transform_indices = @transform_3, window_bounds = array<i64: 1, 8192, 3>}]} {
    %get3A = arith.constant 0 : index
    %get3A_0 = arith.constant 0 : index
    %get3A_1 = vector.load %arg2[%get3A, %get3A_0] : memref<32x8192xf32, #tpu.memory_space<vmem>>, vector<32x8192xf32>
    %get3A_2 = arith.constant 0 : index
    %get3A_3 = arith.constant 0 : index
    %get3A_4 = vector.load %arg3[%get3A_2, %get3A_3] : memref<32x32xf32, #tpu.memory_space<vmem>>, vector<32x32xf32>
    %dot_general3A = arith.constant dense<0.000000e+00> : vector<8192x32xf32>
    %dot_general3A_5 = tpu.matmul %get3A_1, %get3A_4, %dot_general3A {dimension_numbers = #tpu.dot_dimension_numbers<[0], [0], [1], [1], [0, 1, 1, 1], [], []>, transpose_lhs_hint = false} : vector<32x8192xf32>, vector<32x32xf32>, vector<8192x32xf32> -> vector<8192x32xf32>
    %max3A = arith.constant 0.000000e+00 : f32
    %max3A_6 = vector.broadcast %max3A : f32 to vector<8192x32xf32>
    %max3A_7 = arith.maximumf %dot_general3A_5, %max3A_6 : vector<8192x32xf32>
    %get3A_8 = arith.constant 0 : index
    %get3A_9 = arith.constant 0 : index
    %get3A_10 = arith.constant 0 : index
    %get3A_11 = vector.load %arg4[%get3A_8, %get3A_9, %get3A_10] : memref<1x32x3xf32, #tpu.memory_space<vmem>>, vector<1x32x3xf32>
    %get3A_12 = vector.shape_cast %get3A_11 : vector<1x32x3xf32> to vector<32x3xf32>
    %dot_general3A_13 = arith.constant dense<0.000000e+00> : vector<8192x3xf32>
    %dot_general3A_14 = tpu.matmul %max3A_7, %get3A_12, %dot_general3A_13 {dimension_numbers = #tpu.dot_dimension_numbers<[1], [0], [0], [1], [0, 0, 1, 1], [], []>, transpose_lhs_hint = false} : vector<8192x32xf32>, vector<32x3xf32>, vector<8192x3xf32> -> vector<8192x3xf32>
    %swap3A = arith.constant 0 : index
    %swap3A_15 = arith.constant 0 : index
    %swap3A_16 = arith.constant 0 : index
    %swap3A_17 = vector.load %arg5[%swap3A, %swap3A_15, %swap3A_16] : memref<1x8192x3xf32, #tpu.memory_space<vmem>>, vector<1x8192x3xf32>
    %swap3A_18 = vector.shape_cast %swap3A_17 : vector<1x8192x3xf32> to vector<8192x3xf32>
    %swap3A_19 = vector.shape_cast %dot_general3A_14 : vector<8192x3xf32> to vector<1x8192x3xf32>
    tpu.vector_store %arg5[%swap3A, %swap3A_15, %swap3A_16], %swap3A_19 {strides = array<i32>} : memref<1x8192x3xf32, #tpu.memory_space<vmem>>, vector<1x8192x3xf32>,
    return
  }
  func.func @transform_0(%arg0: i32, %arg1: i32) -> (i32, i32) {
    %mul3A = arith.constant 8 : i32
    %mul3A_0 = arith.muli %arg0, %mul3A : i32
    %add3A = arith.addi %mul3A_0, %arg1 : i32
    %c0_i32 = arith.constant 0 : i32
    %c0_i32_1 = arith.constant 0 : i32
    return %c0_i32, %add3A : i32, i32
  }
  func.func @transform_1(%arg0: i32, %arg1: i32) -> (i32, i32) {
    %c0_i32 = arith.constant 0 : i32
    %c0_i32_0 = arith.constant 0 : i32
    %c0_i32_1 = arith.constant 0 : i32
    return %c0_i32, %c0_i32_0 : i32, i32
  }
  func.func @transform_2(%arg0: i32, %arg1: i32) -> (i32, i32, i32) {
    %c0_i32 = arith.constant 0 : i32
    %c0_i32_0 = arith.constant 0 : i32
    %c0_i32_1 = arith.constant 0 : i32
    return %arg0, %c0_i32, %c0_i32_0 : i32, i32, i32
  }
  func.func @transform_3(%arg0: i32, %arg1: i32) -> (i32, i32, i32) {
    %c0_i32 = arith.constant 0 : i32
    %c0_i32_0 = arith.constant 0 : i32
    return %arg0, %arg1, %c0_i32 : i32, i32, i32
  }
}

</mosaic_0001>

<sc_bundles>
// kernel: kernel.5.cloned.1.call-start
scs
__scs_entry_jumppad:
0x0: {  	(pc) =	sbr.rel $0x88, $3  }
0x1: {  	(tag) =	ssettag $0x0;
	lr =	simm.s32 $0x1  }
0x2: {  	[smem:$0x3F97] =	sst lr;
	_ =	strace $0xD0000000  }
0x3: {  	_ = 	snop  }
0x4: {  	_ = 	snop  }
0x5: {  	_ = 	snop  }
0x6: {  	_ = 	snop  }
0x7: {  	_ = 	snop  }
__scs_overlays_trampoline_lowered:
0x8: {  	[smem:$0x3FA6] =	sst s0  }
0x9: {  	[smem:$0x3FA7] =	sst s1  }
0xa: {  	[smem:$0x3FA8] =	sst s2  }
0xb: {  	[smem:$0x3FA9] =	sst s3  }
0xc: {  	[smem:$0x3FAA] =	sst s4  }
0xd: {  	[smem:$0x3FAB] =	sst s5  }
0xe: {  	[smem:$0x3FAC] =	sst s6  }
0xf: {  	[smem:$0x3FAD] =	sst s7  }
0x10: {  	[smem:$0x3FAE] =	sst s8  }
0x11: {  	[smem:$0x3FAF] =	sst s9;
	s0 =	simm.s32 @!p0 $0x0  }
0x12: {  	s1 =	sld [smem:$0x3F95];
	s0 =	simm.s32 @p0 $0x1  }
0x13: {  	[smem:$0x3FB0] =	sst s0;
	s0 =	simm.s32 @!p1 $0x0  }
0x14: {  	s2 =	sld [smem:$0x3F94];
	s0 =	simm.s32 @p1 $0x1  }
0x15: {  	[smem:$0x3FB1] =	sst s0;
	s0 =	simm.s32 @!p2 $0x0  }
0x16: {  	s3 =	sld [smem:$0x3FDB];
	s0 =	simm.s32 @p2 $0x1  }
0x17: {  	s4 =	simm.s32 $0x1BF5;
	[smem:$0x3FB3] =	sst s0  }
0x18: {  	s0 =	sld [smem:$0x3F96];
	_ =	swait.ge [sflag:s4], $0x0  }
0x19: {  	s7 =	sld [smem:$0x3F97]  }
0x1a: {  	s8 =	sadd.s32 $0xFFFFE003, lr  }
0x1b: {  	s9 =	sadd.s32 $0xFFFFFEF7, lr;
	s5 =	simm.s32 $0xFFFFFFFF;
	p2 =	slt.u32 s8, $0xFFFFF086  }
0x1c: {  	p1 =	slt.u32 s9, $0xF7A;
	s5 =	simm.s32 @!p2 $0x0  }
0x1d: {  	s5 =	simm.s32 @p1 $0x1;
	p0 =	seq.s32 s7, s2  }
0x1e: {  	s7 =	smul.u32 @!p0 $0xF7A, s2;
	p2 =	seq.s32 @!p0 s5, $0x0  }
0x1f: {  	s9 =	smul.u32 $0xF7A, s1;
	s8 =	simm.s32 @!p0 $0x1BF5;
	p2 =	por !p2, p0  }
0x20: {  	[sflag:s8] =	ssyncset.s32 @!p0 $0xFFFFF086;
	s6 =	sadd.s32 @!p0 s3, s7;
	s7 =	simm.s32 @!p0 $0x108  }
0x21: {  	s3 =	sadd.s32 s3, s9;
	s6 =	sadd.s32 @!p0 $0x88, s6;
	s7 =	simm.s32 @p2 $0x1082  }
0x22: {  	[simem:s7], [sflag:s8] =	dma.local @!p0 [hbm:s6], $0xF7A  }
0x23: {  	s9 =	sor.u32 $0xD0000000, s2;
	s6 =	simm.s32 $0x108;
	_ =	swait.ge @!p0 [sflag:s8], $0x0  }
0x24: {  	s3 =	sadd.s32 $0x88, s3;
	s6 =	simm.s32 @!p1 $0x1082;
	[sflag:s4] =	ssyncset.s32 $0xFFFFF086  }
0x25: {  	[simem:s6], [sflag:s4] =	dma.local [hbm:s3], $0xF7A  }
0x26: {  	[smem:$0x3F97] =	sst s1;
	(tag) =	ssettag s2;
	_ =	strace s9  }
0x27: {  	s1 =	sld [smem:$0x3FA7]  }
0x28: {  	s2 =	sld [smem:$0x3FA8]  }
0x29: {  	s4 =	sld [smem:$0x3FAA]  }
0x2a: {  	p0 =	seq.s32 s5, $0x0;
	s5 =	sld [smem:$0x3FAB]  }
0x2b: {  	s6 =	sld [smem:$0x3FAC]  }
0x2c: {  	s7 =	sld [smem:$0x3FAD]  }
0x2d: {  	s3 =	simm.s32 $0x108;
	s8 =	sld [smem:$0x3FAE]  }
0x2e: {  	s3 =	simm.s32 @!p0 $0x1082;
	s9 =	sld [smem:$0x3FAF]  }
0x2f: {  	lr =	sadd.s32 s0, s3;
	s0 =	sld [smem:$0x3FA6]  }
0x30: {  	s3 =	sld [smem:$0x3FA9]  }
0x31: {  	[smem:$0x3FB2] =	sst s10  }
0x32: {  	s10 =	sld [smem:$0x3FB0];
	_ =	sdelay $0x3  }
0x33: {  	p0 =	seq.s32 s10, $0x1;
	s10 =	sld [smem:$0x3FB2];
	_ =	sdelay $0x3  }
0x34: {  	[smem:$0x3FB2] =	sst s10  }
0x35: {  	s10 =	sld [smem:$0x3FB1];
	_ =	sdelay $0x3  }
0x36: {  	p1 =	seq.s32 s10, $0x1;
	s10 =	sld [smem:$0x3FB2];
	_ =	sdelay $0x3  }
0x37: {  	[smem:$0x3FB2] =	sst s10  }
0x38: {  	s10 =	sld [smem:$0x3FB3]  }
0x39: {  	_ = 	snop;
	(pc) =	sbr.ind lr, $3  }
0x3a: {  	_ = 	snop  }
0x3b: {  	_ = 	snop  }
0x3c: {  	p2 =	seq.s32 s10, $0x1;
	s10 =	sld [smem:$0x3FB2]  }
0x3d: {  	_ =	shalt  }
0x3e: {  	_ =	shalt  }
0x3f: {  	_ =	shalt  }
0x40: {  	_ =	shalt  }
0x41: {  	_ =	shalt  }
0x42: {  	_ =	shalt  }
0x43: {  	_ =	shalt  }
0x44: {  	_ =	shalt  }
0x45: {  	_ =	shalt  }
0x46: {  	_ =	shalt  }
0x47: {  	_ =	shalt  }
0x48: {  	_ =	shalt  }
0x49: {  	_ =	shalt  }
0x4a: {  	_ =	shalt  }
0x4b: {  	_ =	shalt  }
0x4c: {  	_ =	shalt  }
0x4d: {  	_ =	shalt  }
0x4e: {  	_ =	shalt  }
0x4f: {  	_ =	shalt  }
0x50: {  	_ =	shalt  }
0x51: {  	_ =	shalt  }
0x52: {  	_ =	shalt  }
0x53: {  	_ =	shalt  }
0x54: {  	_ =	shalt  }
0x55: {  	_ =	shalt  }
0x56: {  	_ =	shalt  }
0x57: {  	_ =	shalt  }
0x58: {  	_ =	shalt  }
0x59: {  	_ =	shalt  }
0x5a: {  	_ =	shalt  }
0x5b: {  	_ =	shalt  }
0x5c: {  	_ =	shalt  }
0x5d: {  	_ =	shalt  }
0x5e: {  	_ =	shalt  }
0x5f: {  	_ =	shalt  }
0x60: {  	_ =	shalt  }
0x61: {  	_ =	shalt  }
0x62: {  	_ =	shalt  }
0x63: {  	_ =	shalt  }
0x64: {  	_ =	shalt  }
0x65: {  	_ =	shalt  }
0x66: {  	_ =	shalt  }
0x67: {  	_ =	shalt  }
0x68: {  	_ =	shalt  }
0x69: {  	_ =	shalt  }
0x6a: {  	_ =	shalt  }
0x6b: {  	_ =	shalt  }
0x6c: {  	_ =	shalt  }
0x6d: {  	_ =	shalt  }
0x6e: {  	_ =	shalt  }
0x6f: {  	_ =	shalt  }
0x70: {  	_ =	shalt  }
0x71: {  	_ =	shalt  }
0x72: {  	_ =	shalt  }
0x73: {  	_ =	shalt  }
0x74: {  	_ =	shalt  }
0x75: {  	_ =	shalt  }
0x76: {  	_ =	shalt  }
0x77: {  	_ =	shalt  }
0x78: {  	_ =	shalt  }
0x79: {  	_ =	shalt  }
0x7a: {  	_ =	shalt  }
0x7b: {  	_ =	shalt  }
0x7c: {  	_ =	shalt  }
0x7d: {  	_ =	shalt  }
0x7e: {  	_ =	shalt  }
0x7f: {  	_ =	shalt  }
0x80: {  	_ =	shalt  }
0x81: {  	_ =	shalt  }
0x82: {  	_ =	shalt  }
0x83: {  	_ =	shalt  }
0x84: {  	_ =	shalt  }
0x85: {  	_ =	shalt  }
0x86: {  	_ =	shalt  }
0x87: {  	_ =	shalt  }
.Lfunc_end0:
.L_simem_size_0:
called_computation_lowered:
.L_overlay_start_0:
0x88: {  	s2 =	sld [smem:$0x3FD9]  }
0x89: {  	s3 =	sld [smem:$0x3FFE];
	_ =	sdelay $0x1  }
0x8a: {  	s1 =	srdreg.scid  }
0x8b: {  	s0 =	sand.u32 $0x1, s1  }
0x8c: {  	s17 =	sshll.u32 s0, $0xA;
	s2 =	sadd.s32 s3, s2  }
0x8d: {  	s2 =	sadd.s32 s2, s17  }
0x8e: {  	[smem:$0x3FBE] =	sst s2  }
0x8f: {  	_ = 	snop  }
0x90: {  	s2 =	sld [smem:$0x3FD0];
	(tm) =	ssettm $0x1  }
0x91: {  	s18 =	sld [smem:$0x3FFB];
	_ =	sdelay $0x3  }
0x92: {  	_ =	strace s18  }
0x93: {  	s3 =	sld [smem:$0x3FFC];
	_ =	sdelay $0x3  }
0x94: {  	_ =	strace s3  }
0x95: {  	s3 =	sld [smem:$0x3FFD];
	_ =	sdelay $0x3  }
0x96: {  	_ =	strace s3  }
0x97: {  	_ =	strace $0x8FFFFFFF  }
0x98: {  	s19 =	sld [smem:$0x3FDB];
	_ =	sdelay $0x1  }
0x99: {  	s4 =	simm.s32 $_scs_section_size  }
0x9a: {  	s5 =	simm.s32 $_size__tile_overlayer_lowered;
	s6 =	simm.s32 $_tile_overlayer_lowered  }
0x9b: {  	s22 =	simm.s32 $0x1BFF;
	s21 =	sshll.u32 s6, $0x1;
	s3 =	sadd.s32 s4, s19  }
0x9c: {  	s7 =	simm.s32 $0x0;
	s20 =	sshll.u32 s5, $0x1;
	s5 =	sadd.s32 s21, s3  }
0x9d: {  	[timem:s7], [sflag:s22] =	dma.local [hbm:s5], s20  }
0x9e: {  	_ =	swait.ge [sflag:s22], s20  }
0x9f: {  	s4 =	ssub.s32 $0x0, s20;
	[sflag:s22] =	ssyncset.done $0x0  }
0xa0: {  	[sflag:s22] =	ssyncadd.s32 s4;
	_ =	sdelay $0x1  }
0xa1: {  	s23 =	simm.s32 $0x1B8B  }
0xa2: {  	_ =	swait.ge [sflag:s23], $0x1  }
0xa3: {  	[sflag:s23] =	ssyncset.done $0x0  }
0xa4: {  	s25 =	simm.s32 $0x1B8E;
	s24 =	sld [smem:$0x3FFE];
	[sflag:s23] =	ssyncadd.s32 $0xFFFFFFFF  }
0xa5: {  	s26 =	simm.s32 $execute0_lowered;
	[smem:$0x3FD2] =	sst s25  }
0xa6: {  	s5 =	sshll.u32 s26, $0x1;
	_ =	strace $0x80000046;
	[dreg:$0x1] =	wrdreg $0xFFFFFFFF  }
0xa7: {  	s28 =	simm.s32 $_size_execute0_lowered;
	s3 =	sadd.s32 s3, s5;
	[dreg:$0x0] =	wrdreg $0x0  }
0xa8: {  	s5 =	sshll.u32 s28, $0x1;
	[dreg:$0x2] =	wrdreg s3  }
0xa9: {  	[dreg:$0x3] =	wrdreg s5  }
0xaa: {  	[dreg:$0x4] =	wrdreg $0xC0  }
0xab: {  	_ =	task [dreg:s7], $0x5FFFF  }
0xac: {  	[dreg:$0x1] =	wrdreg $0xFFFFFFFF  }
0xad: {  	[dreg:$0x0] =	wrdreg $0x60  }
0xae: {  	[dreg:$0x2] =	wrdreg s2  }
0xaf: {  	[dreg:$0x3] =	wrdreg s24  }
0xb0: {  	[dreg:$0x4] =	wrdreg $0x9  }
0xb1: {  	_ =	task.clear_ibuf [dreg:s7], $0x5FFFF;
	_ =	strace $0x90000046  }
0xb2: {  	s29 =	simm.s32 $0x9;
	_ =	strace $0x80000048  }
0xb3: {  	_ =	swait.ge [sflag:s29], $0x1  }
0xb4: {  	[sflag:s29] =	ssyncadd.s32 $0xFFFFFFFF  }
0xb5: {  	_ =	strace $0x90000048  }
0xb6: {  	_ =	sfence  }
0xb7: {  	s30 =	sld [smem:$0x0];
	_ =	sdelay $0x2  }
0xb8: {  	s31 =	sshll.u32 s1, $0xD;
	s1 =	sshrl.u32 s1, $0x2  }
0xb9: {  	s3 =	sand.u32 $0x4000, s31;
	s1 =	sadd.s32 s1, s30  }
0xba: {  	s0 =	sor.u32 s3, s0;
	s1 =	sshll.u32 s1, $0x11  }
0xbb: {  	s0 =	sor.u32 s1, s0  }
0xbc: {  	s0 =	sadd.s32 $0x8F2B, s0  }
0xbd: {  	[sflag:s0] =	ssyncadd.remote.s32 $0x1  }
0xbe: {  	_ =	sfence.sel $0xFFFF  }
0xbf: {  	[dreg:$0x0] =	wrdreg $0xFFFFFFFF;
	(pc) =	sbr.abs _section_cstart, $3  }
0xc0: {  	[dreg:$0x1] =	wrdreg $0xFFFFFFFF  }
0xc1: {  	_ =	task.clear_ibuf [dreg:s7], $0x2FFFF;
	_ =	strace $0x9FFFFFFF  }
0xc2: {  	(tm) =	ssettm $0x7FFFFFFF  }
0xc3: {  	_ =	shalt  }
tec
execute0_lowered:
.L_overlay_start_1:
0x0: {  	(tag) =	ssettag $0x1  }
0x1: {  	s1 =	rddreg [dreg:$0x0]  }
0x2: {  	s0 =	rddreg [dreg:$0x1]  }
0x3: {  	s3 =	simm.s32 $0x0;
	s2 =	srdreg.scid;
	s4 =	stileid.u32  }
0x4: {  	s12 =	simm.s32 $0x3;
	s13 =	simm.s32 $0x200;
	s14 =	simm.s32 $0x400  }
0x5: {  	s15 =	simm.s32 $0x1200;
	s16 =	simm.s32 $0x2000;
	s17 =	simm.s32 $0x5200  }
0x6: {  	s18 =	simm.s32 $0x3200;
	s19 =	simm.s32 $0x7200;
	s20 =	simm.s32 $0x1  }
0x7: {  	s21 =	simm.s32 $0x2;
	s22 =	simm.s32 $0x0;
	s25 =	simm.s32 $0x0  }
0x8: {  	[smem:$0x7FF] =	sst s3;
	s2 =	sand.u32 $0x1, s2;
	s5 =	sshll.u32 s4, $0xD  }
0x9: {  	s4 =	sadd.s32 $0x8001800, s0;
	s30 =	sadd.s32 $0x1800, s0;
	s6 =	sshll.u32 s2, $0xC  }
0xa: {  	s8 =	sadd.s32 $0x8000, s1;
	s2 =	ssub.s32 $0x2, s2;
	s5 =	sor.u32 s6, s5  }
0xb: {  	_ =	strace $0x80000047;
	s7 =	sshrl.u32 s2, $0x1;
	s31 =	sshrl.u32 s5, $0x3  }
0xc: {  	v0 =	vlaneseq.u32;
	[dreg:$0x3] =	wrdreg s30;
	s2 =	ssub.s32 s2, s7;
	s0 =	sadd.s32 s31, s0  }
0xd: {  	v0 =	vmul.u32 $0x2, v0;
	s7 =	sadd.s32 $0x4000, s1;
	s9 =	smax.u32 s2, $0x1;
	s10 =	sadd.s32 $0x1A00, s0  }
.LBB2_1:
0xe: {  	s0 =	rddreg [dreg:$0x3];
	s2 =	simm.s32 $0xD200  }
0xf: {  	[tilespmem:s2], [sflag:$0x3] =	stream.linear.gather [hbm4b:s0+s3], $0x200, $0x38;
	[tilespmem:$0xD400] =	vst v63  }
0x10: {  	_ =	swait.ge [sflag:s12], $0x200  }
0x11: {  	[sflag:s12] =	ssyncset.done $0x0  }
0x12: {  	s23 =	smov.u32 s10;
	s24 =	simm.s32 $0x0;
	[sflag:s12] =	ssyncadd.s32 $0xFFFFFE00  }
.LBB2_2:
0x13: {  	s0 =	sshll.u32 s24, $0x9  }
0x14: {  	s0 =	sadd.s32 s5, s0  }
0x15: {  	s0 =	sshrl.u32 s0, $0x3  }
0x16: {  	s2 =	sadd.s32 s1, s0  }
0x17: {  	[tilespmem:s25], [sflag:$0x3] =	stream.linear.gather [hbm4b:s2+s25], $0x200, $0x38;
	[tilespmem:$0xD400] =	vst v63  }
0x18: {  	_ =	swait.ge [sflag:s12], $0x200  }
0x19: {  	[sflag:s12] =	ssyncset.done $0x0  }
0x1a: {  	s31 =	sadd.s32 s0, s7;
	[sflag:s12] =	ssyncadd.s32 $0xFFFFFE00  }
0x1b: {  	[tilespmem:s13], [sflag:$0x3] =	stream.linear.gather [hbm4b:s31+s25], $0x200, $0x38;
	[tilespmem:$0xD400] =	vst v63  }
0x1c: {  	_ =	swait.ge [sflag:s12], $0x200  }
0x1d: {  	[sflag:s12] =	ssyncset.done $0x0  }
0x1e: {  	s0 =	sadd.s32 s0, s8;
	[sflag:s12] =	ssyncadd.s32 $0xFFFFFE00  }
0x1f: {  	[tilespmem:s14], [sflag:$0x3] =	stream.linear.gather [hbm4b:s0+s25], $0x200, $0x38;
	[tilespmem:$0xD400] =	vst v63  }
0x20: {  	_ =	swait.ge [sflag:s12], $0x200  }
0x21: {  	s26 =	simm.s32 $0x9400;
	[sflag:s12] =	ssyncset.done $0x0  }
0x22: {  	s28 =	simm.s32 $0x9800;
	s29 =	simm.s32 $0x0;
	[sflag:s12] =	ssyncadd.s32 $0xFFFFFE00  }
.LBB2_3:
0x23: {  	s30 =	sshll.u32 s29, $0x5;
	s31 =	simm.s32 $0x200  }
0x24: {  	s0 =	sand.u32 $0x3FFFFFE0, s30;
	v6 =	vld [tilespmem:s31+$0x200]  }
0x25: {  	v4 =	vld [tilespmem:s0+$0xD200]  }
0x26: {  	v2 =	vmov s25;
	v7 =	vld [tilespmem:s31+$0x0]  }
0x27: {  	v2 =	vshll.u32 v2, $0x1;
	v9 =	vld [tilespmem:s31+$0xFFFFFE00]  }
0x28: {  	v1 =	vld [tilespmem:s0+$0xD300];
	v3 =	vor.u32 v0, v2  }
0x29: {  	v12 =	vor.u32 $0x401, v3;
	v5 =	vor.u32 $0x1400, v3;
	v21 =	vor.u32 $0x1, v3  }
0x2a: {  	v10 =	vor.u32 $0x800, v3;
	v16 =	vor.u32 $0x400, v3;
	v11 =	vmul.f32 v6, v4  }
0x2b: {  	v8 =	vor.u32 $0xC01, v3;
	v13 =	vor.u32 $0x801, v3;
	v17 =	vmul.f32 v7, v4  }
0x2c: {  	v14 =	vor.u32 $0xC00, v3;
	v18 =	vmul.f32 v9, v4;
	v6 =	vtrunc.f32 v11  }
0x2d: {  	v2 =	vadd.s32 $0x1, v1;
	v7 =	vtrunc.f32 v17;
	v9 =	vcvt.f32.s32 v6  }
0x2e: {  	v15 =	vtrunc.f32 v18;
	v19 =	vcvt.f32.s32 v7;
	v6 =	vor.u32 $0x1C00, v3  }
0x2f: {  	v7 =	vor.u32 $0x1401, v3;
	v22 =	vcvt.s32.f32 v9;
	v9 =	vmul.u32 $0x30025795, v9  }
0x30: {  	v23 =	vcvt.f32.s32 v15;
	v24 =	vcvt.s32.f32 v19;
	v20 =	vmul.u32 $0x9E3779B1, v19  }
0x31: {  	v15 =	vor.u32 $0x1000, v3;
	v19 =	vsub.f32 v11, v22;
	v11 =	vadd.s32 $0x30025795, v9  }
0x32: {  	v22 =	vcvt.s32.f32 v23;
	v24 =	vsub.f32 v17, v24;
	v25 =	vxor.u32 v23, v20  }
0x33: {  	s0 =	simm.s32 $0x800;
	v17 =	vadd.s32 $0x9E3779B1, v20;
	v26 =	vxor.u32 v9, v25;
	v25 =	vxor.u32 v25, v11  }
0x34: {  	v27 =	vxor.u32 v23, v17;
	v22 =	vsub.f32 v18, v22;
	[tilespmem:s0+$0x200] =	vst v19;
	v19 =	vshll.u32 v26, $0x1  }
0x35: {  	[tilespmem:s0+$0x0] =	vst v24;
	v18 =	vadd.s32 $0x1, v23;
	v23 =	vshll.u32 v25, $0x1;
	v19 =	vand.u32 $0xFFFFE, v19  }
0x36: {  	[tilespmem:s0+$0xFFFFFE00] =	vst v22;
	v22 =	vadd.s32 v1, v19;
	v24 =	vadd.s32 v2, v19;
	v19 =	vxor.u32 v9, v27  }
0x37: {  	[tilespmem:v3+s15+$0x0] =	vst.idx.msk $0xffff, v22;
	v22 =	vand.u32 $0xFFFFE, v23;
	v25 =	vshll.u32 v19, $0x1;
	v19 =	vor.u32 $0x1001, v3  }
0x38: {  	s2 =	simm.s32 $0x10;
	[tilespmem:v21+s15+$0x0] =	vst.idx.msk $0xffff, v24;
	v23 =	vadd.s32 v1, v22;
	v21 =	vand.u32 $0xFFFFE, v25;
	v24 =	vxor.u32 v11, v27  }
.LBB2_4:
0x39: {  	p0 =	sne.s32 s2, $0x1F0;
	v20 =	vxor.u32 v18, v20;
	[tilespmem:v16+s15+$0x0] =	vst.idx.msk $0xffff, v23;
	v16 =	vadd.s32 v2, v22;
	v22 =	vshll.u32 v24, $0x1;
	s31 =	sadd.s32 $0x10, s31;
	s0 =	sadd.s32 $0x10, s0  }
0x3a: {  	s6 =	smov.u32 s2;
	s2 =	sadd.s32 $0x10, s2;
	[tilespmem:v12+s15+$0x0] =	vst.idx.msk $0xffff, v16;
	v12 =	vadd.s32 v1, v21;
	v16 =	vand.u32 $0xFFFFE, v22;
	v22 =	vxor.u32 v9, v20  }
0x3b: {  	v20 =	vxor.u32 v20, v11;
	[tilespmem:v10+s15+$0x0] =	vst.idx.msk $0xffff, v12;
	v10 =	vadd.s32 v2, v21;
	v12 =	vshll.u32 v22, $0x1  }
0x3c: {  	[tilespmem:v13+s15+$0x0] =	vst.idx.msk $0xffff, v10;
	v10 =	vadd.s32 v1, v16;
	v12 =	vand.u32 $0xFFFFE, v12;
	v13 =	vshll.u32 v20, $0x1  }
0x3d: {  	[tilespmem:v14+s15+$0x0] =	vst.idx.msk $0xffff, v10;
	v10 =	vadd.s32 v2, v16;
	v14 =	vadd.s32 v1, v12;
	v13 =	vand.u32 $0xFFFFE, v13  }
0x3e: {  	v16 =	vxor.u32 v18, v17;
	[tilespmem:v8+s15+$0x0] =	vst.idx.msk $0xffff, v10;
	v8 =	vadd.s32 v2, v12;
	v10 =	vor.u32 $0x1800, v3  }
0x3f: {  	v12 =	vadd.s32 v1, v13;
	v9 =	vxor.u32 v9, v16;
	[tilespmem:v15+s15+$0x0] =	vst.idx.msk $0xffff, v14;
	v14 =	vor.u32 $0x1801, v3  }
0x40: {  	v11 =	vxor.u32 v11, v16;
	v9 =	vshll.u32 v9, $0x1;
	[tilespmem:v19+s15+$0x0] =	vst.idx.msk $0xffff, v8;
	v8 =	vadd.s32 v2, v13  }
0x41: {  	v3 =	vor.u32 $0x1C01, v3;
	[tilespmem:v5+s15+$0x0] =	vst.idx.msk $0xffff, v12;
	v5 =	vand.u32 $0xFFFFE, v9;
	v9 =	vshll.u32 v11, $0x1  }
0x42: {  	[tilespmem:v7+s15+$0x0] =	vst.idx.msk $0xffff, v8;
	v7 =	vadd.s32 v1, v5;
	v8 =	vand.u32 $0xFFFFE, v9  }
0x43: {  	v5 =	vadd.s32 v2, v5;
	[tilespmem:v10+s15+$0x0] =	vst.idx.msk $0xffff, v7  }
0x44: {  	v7 =	vmov s6;
	[tilespmem:v14+s15+$0x0] =	vst.idx.msk $0xffff, v5;
	v5 =	vadd.s32 v1, v8  }
0x45: {  	[tilespmem:v6+s15+$0x0] =	vst.idx.msk $0xffff, v5;
	v5 =	vadd.s32 v2, v8  }
0x46: {  	[tilespmem:v3+s15+$0x0] =	vst.idx.msk $0xffff, v5  }
0x47: {  	v3 =	vshll.u32 v7, $0x1;
	v6 =	vld [tilespmem:s31+$0x200]  }
0x48: {  	v3 =	vor.u32 v0, v3;
	v7 =	vld [tilespmem:s31+$0x0]  }
0x49: {  	v12 =	vor.u32 $0x401, v3;
	v5 =	vor.u32 $0x1400, v3;
	v9 =	vld [tilespmem:s31+$0xFFFFFE00]  }
0x4a: {  	v21 =	vor.u32 $0x1, v3;
	v10 =	vor.u32 $0x800, v3  }
0x4b: {  	v16 =	vor.u32 $0x400, v3  }
0x4c: {  	v8 =	vor.u32 $0xC01, v3;
	v11 =	vmul.f32 v6, v4  }
0x4d: {  	v13 =	vor.u32 $0x801, v3;
	v17 =	vmul.f32 v7, v4  }
0x4e: {  	v18 =	vmul.f32 v9, v4;
	v6 =	vtrunc.f32 v11  }
0x4f: {  	v14 =	vor.u32 $0xC00, v3;
	v7 =	vtrunc.f32 v17;
	v9 =	vcvt.f32.s32 v6  }
0x50: {  	v6 =	vor.u32 $0x1C00, v3;
	v15 =	vtrunc.f32 v18;
	v19 =	vcvt.f32.s32 v7  }
0x51: {  	v7 =	vor.u32 $0x1401, v3;
	v22 =	vcvt.s32.f32 v9;
	v9 =	vmul.u32 $0x30025795, v9  }
0x52: {  	v23 =	vcvt.f32.s32 v15;
	v24 =	vcvt.s32.f32 v19;
	v20 =	vmul.u32 $0x9E3779B1, v19  }
0x53: {  	v15 =	vor.u32 $0x1000, v3;
	v19 =	vsub.f32 v11, v22;
	v11 =	vadd.s32 $0x30025795, v9  }
0x54: {  	v22 =	vcvt.s32.f32 v23;
	v24 =	vsub.f32 v17, v24;
	v25 =	vxor.u32 v23, v20  }
0x55: {  	v17 =	vadd.s32 $0x9E3779B1, v20;
	v26 =	vxor.u32 v9, v25;
	v25 =	vxor.u32 v25, v11  }
.Ltmp0:
0x56: {  	v22 =	vsub.f32 v18, v22;
	v27 =	vxor.u32 v23, v17;
	[tilespmem:s0+$0x200] =	vst v19;
	v19 =	vshll.u32 v26, $0x1;
	(pc) =	sbr.rel @p0 .LBB2_4-.Ltmp0, $4  }
0x57: {  	v18 =	vadd.s32 $0x1, v23;
	v23 =	vshll.u32 v25, $0x1;
	[tilespmem:s0+$0x0] =	vst v24;
	v19 =	vand.u32 $0xFFFFE, v19  }
0x58: {  	[tilespmem:s0+$0xFFFFFE00] =	vst v22;
	v22 =	vadd.s32 v1, v19;
	v24 =	vadd.s32 v2, v19;
	v19 =	vxor.u32 v9, v27  }
0x59: {  	[tilespmem:v3+s15+$0x0] =	vst.idx.msk $0xffff, v22;
	v22 =	vand.u32 $0xFFFFE, v23;
	v25 =	vshll.u32 v19, $0x1;
	v19 =	vor.u32 $0x1001, v3  }
0x5a: {  	[tilespmem:v21+s15+$0x0] =	vst.idx.msk $0xffff, v24;
	v23 =	vadd.s32 v1, v22;
	v21 =	vand.u32 $0xFFFFE, v25;
	v24 =	vxor.u32 v11, v27  }
0x5b: {  	_ =	sdelay $0x3  }
0x5c: {  	v4 =	vxor.u32 v18, v20;
	[tilespmem:v16+s15+$0x0] =	vst.idx.msk $0xffff, v23;
	v16 =	vadd.s32 v2, v22  }
0x5d: {  	v20 =	vshll.u32 v24, $0x1;
	[tilespmem:v12+s15+$0x0] =	vst.idx.msk $0xffff, v16;
	v12 =	vadd.s32 v1, v21;
	v16 =	vxor.u32 v9, v4  }
0x5e: {  	v20 =	vand.u32 $0xFFFFE, v20;
	v4 =	vxor.u32 v4, v11;
	[tilespmem:v10+s15+$0x0] =	vst.idx.msk $0xffff, v12;
	v10 =	vadd.s32 v2, v21  }
0x5f: {  	v12 =	vshll.u32 v16, $0x1;
	v4 =	vshll.u32 v4, $0x1;
	[tilespmem:v13+s15+$0x0] =	vst.idx.msk $0xffff, v10;
	v10 =	vadd.s32 v1, v20  }
0x60: {  	v12 =	vand.u32 $0xFFFFE, v12;
	v4 =	vand.u32 $0xFFFFE, v4;
	[tilespmem:v14+s15+$0x0] =	vst.idx.msk $0xffff, v10;
	v10 =	vadd.s32 v2, v20  }
0x61: {  	v13 =	vadd.s32 v1, v12;
	v14 =	vxor.u32 v18, v17;
	[tilespmem:v8+s15+$0x0] =	vst.idx.msk $0xffff, v10;
	v8 =	vor.u32 $0x1800, v3  }
0x62: {  	v10 =	vadd.s32 v2, v12;
	v9 =	vxor.u32 v9, v14;
	v12 =	vor.u32 $0x1801, v3;
	[tilespmem:v15+s15+$0x0] =	vst.idx.msk $0xffff, v13  }
0x63: {  	v3 =	vor.u32 $0x1C01, v3;
	v13 =	vadd.s32 v1, v4;
	v9 =	vshll.u32 v9, $0x1;
	[tilespmem:v19+s15+$0x0] =	vst.idx.msk $0xffff, v10  }
0x64: {  	v4 =	vadd.s32 v2, v4;
	v10 =	vxor.u32 v11, v14;
	[tilespmem:v5+s15+$0x0] =	vst.idx.msk $0xffff, v13;
	v5 =	vand.u32 $0xFFFFE, v9  }
0x65: {  	v9 =	vshll.u32 v10, $0x1;
	[tilespmem:v7+s15+$0x0] =	vst.idx.msk $0xffff, v4;
	v4 =	vadd.s32 v1, v5  }
0x66: {  	v7 =	vand.u32 $0xFFFFE, v9;
	[tilespmem:v8+s15+$0x0] =	vst.idx.msk $0xffff, v4;
	v4 =	vadd.s32 v2, v5  }
0x67: {  	v1 =	vadd.s32 v1, v7;
	[tilespmem:v12+s15+$0x0] =	vst.idx.msk $0xffff, v4  }
0x68: {  	s0 =	sor.u32 $0x10, s30;
	[tilespmem:v6+s15+$0x0] =	vst.idx.msk $0xffff, v1;
	v1 =	vadd.s32 v2, v7  }
0x69: {  	s0 =	sand.u32 $0x3FFFFFF0, s0;
	[tilespmem:v3+s15+$0x0] =	vst.idx.msk $0xffff, v1  }
0x6a: {  	[tilespmem:s17], [sflag:$0x1] =	stream.indirect.gather [hbm4b:s4+s16], $0x1, s15, s16, $0xb8;
	[tilespmem:$0xD400] =	vst v63  }
0x6b: {  	s11 =	simm.s32 $0x0;
	s30 =	simm.s32 $0x400;
	v4 =	vld [tilespmem:s0+$0xD200]  }
0x6c: {  	v2 =	vmov s11;
	v5 =	vld [tilespmem:s30+$0xFFFFFE00]  }
0x6d: {  	v3 =	vshll.u32 v2, $0x1;
	v10 =	vld [tilespmem:s30+$0xFFFFFC00]  }
0x6e: {  	v3 =	vor.u32 v0, v3;
	v7 =	vld [tilespmem:s30+$0x0]  }
0x6f: {  	v1 =	vld [tilespmem:s0+$0xD300];
	v19 =	vor.u32 $0x2000, v3  }
0x70: {  	v11 =	vor.u32 $0x2C00, v3;
	v22 =	vor.u32 $0x2400, v3;
	v9 =	vor.u32 $0x2C01, v3  }
0x71: {  	v23 =	vor.u32 $0x2001, v3;
	v8 =	vor.u32 $0x3001, v3;
	v6 =	vor.u32 $0x3400, v3  }
0x72: {  	v13 =	vor.u32 $0x2801, v3;
	v15 =	vmul.f32 v5, v4;
	v21 =	vmul.f32 v10, v4  }
0x73: {  	v14 =	vor.u32 $0x2800, v3;
	v17 =	vor.u32 $0x2401, v3;
	v20 =	vmul.f32 v7, v4  }
0x74: {  	v2 =	vadd.s32 $0x1, v1;
	v10 =	vtrunc.f32 v15;
	v16 =	vtrunc.f32 v21  }
0x75: {  	v5 =	vor.u32 $0x3C00, v3;
	v12 =	vcvt.f32.s32 v10;
	v10 =	vtrunc.f32 v20  }
0x76: {  	v7 =	vor.u32 $0x3801, v3;
	v25 =	vcvt.f32.s32 v16;
	v24 =	vcvt.f32.s32 v10  }
0x77: {  	v10 =	vor.u32 $0x3800, v3;
	v26 =	vcvt.s32.f32 v12;
	v18 =	vmul.u32 $0x9E3779B1, v12  }
0x78: {  	v12 =	vor.u32 $0x3401, v3;
	v27 =	vcvt.s32.f32 v24;
	v16 =	vmul.u32 $0x30025795, v24  }
0x79: {  	v24 =	vcvt.s32.f32 v25;
	v26 =	vsub.f32 v15, v26;
	v28 =	vxor.u32 v25, v18  }
0x7a: {  	s31 =	simm.s32 $0x1000;
	v20 =	vsub.f32 v20, v27;
	v15 =	vadd.s32 $0x30025795, v16;
	v27 =	vxor.u32 v16, v28  }
0x7b: {  	v21 =	vsub.f32 v21, v24;
	[tilespmem:s31+$0xFFFFFE00] =	vst v26;
	v24 =	vshll.u32 v27, $0x1;
	v26 =	vxor.u32 v28, v15  }
0x7c: {  	[tilespmem:s31+$0x0] =	vst v20;
	v20 =	vadd.s32 $0x9E3779B1, v18;
	v24 =	vand.u32 $0xFFFFE, v24;
	v26 =	vshll.u32 v26, $0x1  }
0x7d: {  	[tilespmem:s31+$0xFFFFFC00] =	vst v21;
	v27 =	vxor.u32 v25, v20;
	v21 =	vadd.s32 v1, v24;
	v26 =	vand.u32 $0xFFFFE, v26  }
0x7e: {  	v24 =	vadd.s32 v2, v24;
	[tilespmem:v19+s15+$0x0] =	vst.idx.msk $0xffff, v21;
	v63 =	vxor.u32 v15, v27;
	v19 =	vor.u32 $0x3000, v3  }
0x7f: {  	v21 =	vadd.s32 $0x1, v25;
	[tilespmem:v23+s15+$0x0] =	vst.idx.msk $0xffff, v24;
	v23 =	vadd.s32 v1, v26;
	v24 =	vxor.u32 v16, v27  }
0x80: {  	s0 =	simm.s32 $0x10;
	[tilespmem:v22+s15+$0x0] =	vst.idx.msk $0xffff, v23;
	v23 =	vadd.s32 v2, v26;
	v24 =	vshll.u32 v24, $0x1;
	v22 =	vshll.u32 v63, $0x1  }
.LBB2_6:
0x81: {  	p0 =	sne.s32 s0, $0x1F0;
	v18 =	vxor.u32 v21, v18;
	v20 =	vxor.u32 v21, v20;
	[tilespmem:v17+s15+$0x0] =	vst.idx.msk $0xffff, v23;
	v17 =	vand.u32 $0xFFFFE, v24;
	s30 =	sadd.s32 $0x10, s30;
	s31 =	sadd.s32 $0x10, s31  }
0x82: {  	v22 =	vand.u32 $0xFFFFE, v22;
	s2 =	smov.u32 s0;
	s0 =	sadd.s32 $0x10, s0;
	v21 =	vadd.s32 v1, v17;
	v23 =	vxor.u32 v16, v18  }
0x83: {  	[tilespmem:v14+s15+$0x0] =	vst.idx.msk $0xffff, v21;
	v14 =	vadd.s32 v2, v17;
	v17 =	vadd.s32 v1, v22;
	v21 =	vshll.u32 v23, $0x1  }
0x84: {  	v18 =	vxor.u32 v18, v15;
	[tilespmem:v13+s15+$0x0] =	vst.idx.msk $0xffff, v14;
	v13 =	vadd.s32 v2, v22;
	v14 =	vand.u32 $0xFFFFE, v21  }
0x85: {  	v16 =	vxor.u32 v16, v20;
	[tilespmem:v11+s15+$0x0] =	vst.idx.msk $0xffff, v17;
	v11 =	vadd.s32 v1, v14;
	v17 =	vshll.u32 v18, $0x1  }
0x86: {  	[tilespmem:v9+s15+$0x0] =	vst.idx.msk $0xffff, v13;
	v9 =	vadd.s32 v2, v14;
	v13 =	vand.u32 $0xFFFFE, v17;
	v14 =	vshll.u32 v16, $0x1  }
0x87: {  	v15 =	vxor.u32 v15, v20;
	[tilespmem:v19+s15+$0x0] =	vst.idx.msk $0xffff, v11;
	v11 =	vadd.s32 v1, v13;
	v14 =	vand.u32 $0xFFFFE, v14  }
0x88: {  	v3 =	vor.u32 $0x3C01, v3;
	[tilespmem:v8+s15+$0x0] =	vst.idx.msk $0xffff, v9;
	v8 =	vadd.s32 v2, v13;
	v9 =	vshll.u32 v15, $0x1  }
0x89: {  	[tilespmem:v6+s15+$0x0] =	vst.idx.msk $0xffff, v11;
	v6 =	vadd.s32 v1, v14;
	v9 =	vand.u32 $0xFFFFE, v9  }
0x8a: {  	[tilespmem:v12+s15+$0x0] =	vst.idx.msk $0xffff, v8;
	v8 =	vadd.s32 v2, v14  }
0x8b: {  	[tilespmem:v10+s15+$0x0] =	vst.idx.msk $0xffff, v6;
	v6 =	vadd.s32 v1, v9  }
0x8c: {  	v10 =	vmov s2;
	[tilespmem:v7+s15+$0x0] =	vst.idx.msk $0xffff, v8;
	v7 =	vadd.s32 v2, v9  }
0x8d: {  	[tilespmem:v5+s15+$0x0] =	vst.idx.msk $0xffff, v6  }
0x8e: {  	v5 =	vshll.u32 v10, $0x1;
	[tilespmem:v3+s15+$0x0] =	vst.idx.msk $0xffff, v7  }
0x8f: {  	v3 =	vor.u32 v0, v5;
	v7 =	vld [tilespmem:s30+$0xFFFFFE00]  }
0x90: {  	v19 =	vor.u32 $0x2000, v3;
	v11 =	vor.u32 $0x2C00, v3;
	v5 =	vld [tilespmem:s30+$0x0]  }
0x91: {  	v22 =	vor.u32 $0x2400, v3;
	v9 =	vor.u32 $0x2C01, v3;
	v10 =	vld [tilespmem:s30+$0xFFFFFC00]  }
0x92: {  	v23 =	vor.u32 $0x2001, v3;
	v8 =	vor.u32 $0x3001, v3  }
0x93: {  	v6 =	vor.u32 $0x3400, v3  }
0x94: {  	v13 =	vor.u32 $0x2801, v3;
	v15 =	vmul.f32 v7, v4  }
0x95: {  	v14 =	vor.u32 $0x2800, v3;
	v20 =	vmul.f32 v5, v4;
	v5 =	vor.u32 $0x3C00, v3  }
0x96: {  	v7 =	vor.u32 $0x3801, v3;
	v21 =	vmul.f32 v10, v4;
	v10 =	vtrunc.f32 v15  }
0x97: {  	v17 =	vor.u32 $0x2401, v3;
	v12 =	vcvt.f32.s32 v10;
	v10 =	vtrunc.f32 v20  }
0x98: {  	v16 =	vtrunc.f32 v21;
	v24 =	vcvt.f32.s32 v10;
	v10 =	vor.u32 $0x3800, v3  }
0x99: {  	v25 =	vcvt.f32.s32 v16;
	v26 =	vcvt.s32.f32 v12;
	v18 =	vmul.u32 $0x9E3779B1, v12  }
0x9a: {  	v12 =	vor.u32 $0x3401, v3;
	v27 =	vcvt.s32.f32 v24;
	v16 =	vmul.u32 $0x30025795, v24  }
0x9b: {  	v24 =	vcvt.s32.f32 v25;
	v26 =	vsub.f32 v15, v26;
	v28 =	vxor.u32 v25, v18  }
0x9c: {  	v20 =	vsub.f32 v20, v27;
	v15 =	vadd.s32 $0x30025795, v16;
	v27 =	vxor.u32 v16, v28  }
0x9d: {  	v21 =	vsub.f32 v21, v24;
	[tilespmem:s31+$0xFFFFFE00] =	vst v26;
	v24 =	vshll.u32 v27, $0x1;
	v26 =	vxor.u32 v28, v15  }
.Ltmp1:
0x9e: {  	[tilespmem:s31+$0x0] =	vst v20;
	v20 =	vadd.s32 $0x9E3779B1, v18;
	v24 =	vand.u32 $0xFFFFE, v24;
	v26 =	vshll.u32 v26, $0x1;
	(pc) =	sbr.rel @p0 .LBB2_6-.Ltmp1, $4  }
0x9f: {  	[tilespmem:s31+$0xFFFFFC00] =	vst v21;
	v27 =	vxor.u32 v25, v20;
	v21 =	vadd.s32 v1, v24;
	v26 =	vand.u32 $0xFFFFE, v26  }
0xa0: {  	v24 =	vadd.s32 v2, v24;
	[tilespmem:v19+s15+$0x0] =	vst.idx.msk $0xffff, v21;
	v28 =	vxor.u32 v15, v27;
	v19 =	vor.u32 $0x3000, v3  }
0xa1: {  	v21 =	vadd.s32 $0x1, v25;
	[tilespmem:v23+s15+$0x0] =	vst.idx.msk $0xffff, v24;
	v23 =	vadd.s32 v1, v26;
	v24 =	vxor.u32 v16, v27  }
0xa2: {  	[tilespmem:v22+s15+$0x0] =	vst.idx.msk $0xffff, v23;
	v23 =	vadd.s32 v2, v26;
	v24 =	vshll.u32 v24, $0x1;
	v22 =	vshll.u32 v28, $0x1  }
0xa3: {  	_ =	sdelay $0x2  }
0xa4: {  	v4 =	vand.u32 $0xFFFFE, v24  }
0xa5: {  	v18 =	vxor.u32 v21, v18;
	[tilespmem:v17+s15+$0x0] =	vst.idx.msk $0xffff, v23;
	v44 =	vadd.s32 v1, v4  }
0xa6: {  	v22 =	vand.u32 $0xFFFFE, v22;
	v45 =	vxor.u32 v16, v18;
	v4 =	vadd.s32 v2, v4;
	[tilespmem:v14+s15+$0x0] =	vst.idx.msk $0xffff, v44  }
0xa7: {  	v47 =	vadd.s32 v1, v22;
	v48 =	vshll.u32 v45, $0x1;
	[tilespmem:v13+s15+$0x0] =	vst.idx.msk $0xffff, v4  }
0xa8: {  	v49 =	vadd.s32 v2, v22;
	v18 =	vxor.u32 v18, v15;
	v50 =	vand.u32 $0xFFFFE, v48;
	[tilespmem:v11+s15+$0x0] =	vst.idx.msk $0xffff, v47  }
0xa9: {  	v46 =	vxor.u32 v21, v20;
	v52 =	vshll.u32 v18, $0x1;
	v51 =	vadd.s32 v1, v50;
	[tilespmem:v9+s15+$0x0] =	vst.idx.msk $0xffff, v49  }
0xaa: {  	v53 =	vxor.u32 v16, v46;
	v55 =	vand.u32 $0xFFFFE, v52;
	v54 =	vadd.s32 v2, v50;
	[tilespmem:v19+s15+$0x0] =	vst.idx.msk $0xffff, v51  }
0xab: {  	v3 =	vor.u32 $0x3C01, v3;
	v56 =	vshll.u32 v53, $0x1;
	v57 =	vadd.s32 v1, v55;
	[tilespmem:v8+s15+$0x0] =	vst.idx.msk $0xffff, v54  }
0xac: {  	v58 =	vxor.u32 v15, v46;
	v13 =	vand.u32 $0xFFFFE, v56;
	v59 =	vadd.s32 v2, v55;
	[tilespmem:v6+s15+$0x0] =	vst.idx.msk $0xffff, v57  }
0xad: {  	v4 =	vshll.u32 v58, $0x1;
	v60 =	vadd.s32 v1, v13;
	[tilespmem:v12+s15+$0x0] =	vst.idx.msk $0xffff, v59  }
0xae: {  	v4 =	vand.u32 $0xFFFFE, v4;
	v61 =	vadd.s32 v2, v13;
	[tilespmem:v10+s15+$0x0] =	vst.idx.msk $0xffff, v60  }
0xaf: {  	v1 =	vadd.s32 v1, v4;
	[tilespmem:v7+s15+$0x0] =	vst.idx.msk $0xffff, v61  }
0xb0: {  	v2 =	vadd.s32 v2, v4;
	[tilespmem:v5+s15+$0x0] =	vst.idx.msk $0xffff, v1  }
0xb1: {  	[tilespmem:v3+s15+$0x0] =	vst.idx.msk $0xffff, v2  }
0xb2: {  	[tilespmem:s19], [sflag:$0x2] =	stream.indirect.gather [hbm4b:s4+s16], $0x1, s18, s16, $0xb8;
	[tilespmem:$0xD400] =	vst v63  }
0xb3: {  	_ =	swait.ge [sflag:s20], $0x2000  }
0xb4: {  	[sflag:s20] =	ssyncset.done $0x0  }
0xb5: {  	s0 =	simm.s32 $0x0;
	s30 =	simm.s32 $0x800;
	[sflag:s20] =	ssyncadd.s32 $0xFFFFE000  }
0xb6: {  	v1 =	vmov s0;
	v2 =	vld [tilespmem:s30+$0xFFFFFE00]  }
0xb7: {  	v1 =	vshll.u32 v1, $0x1;
	v3 =	vld [tilespmem:s30+$0x0]  }
0xb8: {  	v1 =	vor.u32 v0, v1  }
0xb9: {  	v62 =	vor.u32 $0x1, v1;
	v63 =	vld [tilespmem:s30+$0x200]  }
0xba: {  	v27 =	vor.u32 $0x400, v1  }
0xbb: {  	v28 =	vor.u32 $0x401, v1  }
0xbc: {  	v29 =	vor.u32 $0x800, v1;
	v30 =	vsub.f32 $1.000000000e+00, v2;
	v31 =	vsub.f32 $1.000000000e+00, v3  }
0xbd: {  	v32 =	vor.u32 $0x801, v1;
	v33 =	vld.idx.msk [tilespmem:v1+s17+$0x0], $0xffff  }
0xbe: {  	v34 =	vor.u32 $0xC00, v1;
	v4 =	vld.idx.msk [tilespmem:v62+s17+$0x0], $0xffff;
	v35 =	vsub.f32 $1.000000000e+00, v63;
	v36 =	vmul.f32 v31, v30  }
0xbf: {  	v37 =	vor.u32 $0xC01, v1;
	v6 =	vld.idx.msk [tilespmem:v27+s17+$0x0], $0xffff  }
0xc0: {  	v38 =	vor.u32 $0x1000, v1;
	v39 =	vor.u32 $0x1001, v1;
	v7 =	vld.idx.msk [tilespmem:v28+s17+$0x0], $0xffff;
	v40 =	vmul.f32 v35, v36  }
0xc1: {  	v41 =	vor.u32 $0x1400, v1;
	v42 =	vor.u32 $0x1401, v1;
	v8 =	vld.idx.msk [tilespmem:v29+s17+$0x0], $0xffff;
	v9 =	vmul.f32 v3, v30  }
0xc2: {  	v43 =	vor.u32 $0x1800, v1;
	v11 =	vld.idx.msk [tilespmem:v32+s17+$0x0], $0xffff;
	v15 =	vmul.f32 v36, v63;
	v12 =	vmul.f32 v40, v33  }
0xc3: {  	v44 =	vor.u32 $0x1801, v1;
	v45 =	vor.u32 $0x1C00, v1;
	v13 =	vld.idx.msk [tilespmem:v34+s17+$0x0], $0xffff;
	v4 =	vmul.f32 v40, v4  }
0xc4: {  	v16 =	vld.idx.msk [tilespmem:v37+s17+$0x0], $0xffff;
	v46 =	vmul.f32 v35, v9;
	v6 =	vmul.f32 v6, v15;
	v12 =	vadd.f32 $0.0e+00, v12  }
0xc5: {  	v17 =	vld.idx.msk [tilespmem:v38+s17+$0x0], $0xffff;
	v10 =	vmul.f32 v31, v2;
	v7 =	vmul.f32 v7, v15;
	v4 =	vadd.f32 $0.0e+00, v4  }
0xc6: {  	v47 =	vld.idx.msk [tilespmem:v39+s17+$0x0], $0xffff;
	v9 =	vmul.f32 v63, v9;
	v8 =	vmul.f32 v8, v46;
	v6 =	vadd.f32 v6, v12  }
0xc7: {  	v1 =	vor.u32 $0x1C01, v1;
	v48 =	vld.idx.msk [tilespmem:v41+s17+$0x0], $0xffff;
	v49 =	vmul.f32 v11, v46;
	v4 =	vadd.f32 v7, v4  }
0xc8: {  	v51 =	vld.idx.msk [tilespmem:v42+s17+$0x0], $0xffff;
	v50 =	vmul.f32 v35, v10;
	v52 =	vmul.f32 v13, v9;
	v6 =	vadd.f32 v8, v6  }
0xc9: {  	v2 =	vmul.f32 v3, v2;
	v3 =	vld.idx.msk [tilespmem:v43+s17+$0x0], $0xffff;
	v53 =	vmul.f32 v16, v9;
	v4 =	vadd.f32 v49, v4  }
0xca: {  	v55 =	vld.idx.msk [tilespmem:v44+s17+$0x0], $0xffff;
	v54 =	vmul.f32 v10, v63;
	v56 =	vmul.f32 v17, v50;
	v6 =	vadd.f32 v52, v6  }
0xcb: {  	v57 =	vld.idx.msk [tilespmem:v45+s17+$0x0], $0xffff;
	v58 =	vmul.f32 v47, v50;
	v4 =	vadd.f32 v53, v4  }
0xcc: {  	v1 =	vld.idx.msk [tilespmem:v1+s17+$0x0], $0xffff;
	v60 =	vmul.f32 v35, v2;
	v59 =	vmul.f32 v48, v54;
	v6 =	vadd.f32 v56, v6  }
0xcd: {  	v61 =	vmul.f32 v51, v54;
	v4 =	vadd.f32 v58, v4  }
0xce: {  	v2 =	vmul.f32 v63, v2;
	v3 =	vmul.f32 v3, v60;
	v6 =	vadd.f32 v59, v6  }
0xcf: {  	v62 =	vmul.f32 v55, v60;
	v4 =	vadd.f32 v61, v4  }
0xd0: {  	v63 =	vmul.f32 v57, v2;
	v3 =	vadd.f32 v3, v6  }
0xd1: {  	v1 =	vmul.f32 v1, v2;
	v4 =	vadd.f32 v62, v4  }
0xd2: {  	v2 =	vadd.f32 v63, v3  }
0xd3: {  	v1 =	vadd.f32 v1, v4  }
0xd4: {  	s6 =	simm.s32 $0x20;
	s31 =	smov.u32 s26;
	s0 =	simm.s32 $0x10;
	[tilespmem:s26+$0xFFFFFE00] =	vst v2  }
.LBB2_8:
0xd5: {  	[tilespmem:s31+$0x0] =	vst v1;
	s31 =	sadd.s32 $0x10, s31  }
0xd6: {  	v2 =	vmov s0;
	s30 =	sadd.s32 $0x10, s30;
	s0 =	smov.u32 s6;
	s2 =	sadd.s32 $0x10, s6  }
0xd7: {  	p0 =	sne.s32 s6, $0x1F0;
	v1 =	vld [tilespmem:s30+$0xFFFFFE00];
	v2 =	vshll.u32 v2, $0x1  }
0xd8: {  	v3 =	vld [tilespmem:s30+$0x0];
	v2 =	vor.u32 v0, v2  }
0xd9: {  	v4 =	vor.u32 $0x1, v2;
	v5 =	vor.u32 $0x400, v2;
	v6 =	vor.u32 $0x401, v2  }
0xda: {  	v8 =	vor.u32 $0x800, v2;
	v9 =	vor.u32 $0x801, v2;
	v10 =	vor.u32 $0xC00, v2;
	v7 =	vld [tilespmem:s30+$0x200]  }
0xdb: {  	v11 =	vor.u32 $0xC01, v2;
	v12 =	vor.u32 $0x1000, v2;
	v13 =	vor.u32 $0x1001, v2  }
0xdc: {  	v14 =	vor.u32 $0x1400, v2;
	v15 =	vor.u32 $0x1401, v2;
	v16 =	vor.u32 $0x1800, v2  }
0xdd: {  	v20 =	vor.u32 $0x1801, v2;
	v17 =	vsub.f32 $1.000000000e+00, v1;
	v18 =	vsub.f32 $1.000000000e+00, v3;
	v19 =	vld.idx.msk [tilespmem:v2+s17+$0x0], $0xffff  }
0xde: {  	v22 =	vor.u32 $0x1C00, v2;
	v21 =	vmul.f32 v3, v1;
	v2 =	vor.u32 $0x1C01, v2;
	v4 =	vld.idx.msk [tilespmem:v4+s17+$0x0], $0xffff  }
0xdf: {  	v3 =	vmul.f32 v3, v17;
	v23 =	vsub.f32 $1.000000000e+00, v7;
	v24 =	vmul.f32 v18, v17;
	v5 =	vld.idx.msk [tilespmem:v5+s17+$0x0], $0xffff  }
0xe0: {  	v1 =	vmul.f32 v18, v1;
	v6 =	vld.idx.msk [tilespmem:v6+s17+$0x0], $0xffff  }
0xe1: {  	v17 =	vmul.f32 v23, v24;
	v8 =	vld.idx.msk [tilespmem:v8+s17+$0x0], $0xffff  }
0xe2: {  	v18 =	vmul.f32 v23, v1;
	v1 =	vmul.f32 v1, v7;
	v9 =	vld.idx.msk [tilespmem:v9+s17+$0x0], $0xffff  }
0xe3: {  	v24 =	vmul.f32 v24, v7;
	v19 =	vmul.f32 v17, v19;
	v10 =	vld.idx.msk [tilespmem:v10+s17+$0x0], $0xffff  }
0xe4: {  	v4 =	vmul.f32 v17, v4;
	v11 =	vld.idx.msk [tilespmem:v11+s17+$0x0], $0xffff  }
0xe5: {  	v5 =	vmul.f32 v5, v24;
	v17 =	vadd.f32 $0.0e+00, v19;
	v19 =	vmul.f32 v23, v3;
	v12 =	vld.idx.msk [tilespmem:v12+s17+$0x0], $0xffff  }
0xe6: {  	v4 =	vadd.f32 $0.0e+00, v4;
	v6 =	vmul.f32 v6, v24;
	v13 =	vld.idx.msk [tilespmem:v13+s17+$0x0], $0xffff  }
0xe7: {  	v3 =	vmul.f32 v7, v3;
	v5 =	vadd.f32 v5, v17;
	v8 =	vmul.f32 v8, v19;
	v14 =	vld.idx.msk [tilespmem:v14+s17+$0x0], $0xffff  }
0xe8: {  	v4 =	vadd.f32 v6, v4;
	v6 =	vmul.f32 v9, v19;
	v9 =	vld.idx.msk [tilespmem:v15+s17+$0x0], $0xffff  }
0xe9: {  	v5 =	vadd.f32 v8, v5;
	v8 =	vmul.f32 v10, v3;
	v10 =	vld.idx.msk [tilespmem:v16+s17+$0x0], $0xffff  }
0xea: {  	v4 =	vadd.f32 v6, v4;
	v3 =	vmul.f32 v11, v3;
	v6 =	vld.idx.msk [tilespmem:v20+s17+$0x0], $0xffff  }
0xeb: {  	v5 =	vadd.f32 v8, v5;
	v8 =	vmul.f32 v12, v18;
	v11 =	vld.idx.msk [tilespmem:v22+s17+$0x0], $0xffff  }
0xec: {  	v3 =	vadd.f32 v3, v4;
	v4 =	vmul.f32 v13, v18;
	v2 =	vld.idx.msk [tilespmem:v2+s17+$0x0], $0xffff  }
0xed: {  	v12 =	vmul.f32 v23, v21;
	v5 =	vadd.f32 v8, v5;
	v8 =	vmul.f32 v14, v1  }
0xee: {  	v3 =	vadd.f32 v4, v3;
	v1 =	vmul.f32 v9, v1  }
0xef: {  	v7 =	vmul.f32 v7, v21;
	v4 =	vadd.f32 v8, v5;
	v5 =	vmul.f32 v10, v12  }
0xf0: {  	v1 =	vadd.f32 v1, v3;
	v3 =	vmul.f32 v6, v12  }
.Ltmp2:
0xf1: {  	v4 =	vadd.f32 v5, v4;
	v5 =	vmul.f32 v11, v7;
	(pc) =	sbr.rel @p0 .LBB2_8-.Ltmp2, $4  }
0xf2: {  	v1 =	vadd.f32 v3, v1;
	v2 =	vmul.f32 v2, v7  }
0xf3: {  	v3 =	vadd.f32 v5, v4  }
0xf4: {  	v1 =	vadd.f32 v2, v1  }
0xf5: {  	s6 =	smov.u32 s2;
	[tilespmem:s31+$0xFFFFFE00] =	vst v3  }
0xf6: {  	[tilespmem:s31+$0x0] =	vst v1;
	s2 =	sadd.s32 $0x10, s30  }
0xf7: {  	v1 =	vmov s0;
	v2 =	vld [tilespmem:s2+$0xFFFFFE00]  }
0xf8: {  	v1 =	vshll.u32 v1, $0x1;
	v3 =	vld [tilespmem:s2+$0x0]  }
0xf9: {  	v1 =	vor.u32 v0, v1  }
0xfa: {  	v5 =	vld [tilespmem:s2+$0x200];
	v4 =	vor.u32 $0x1, v1  }
0xfb: {  	v6 =	vor.u32 $0x400, v1  }
0xfc: {  	v7 =	vor.u32 $0x401, v1  }
0xfd: {  	v8 =	vor.u32 $0x800, v1;
	v9 =	vsub.f32 $1.000000000e+00, v2;
	v10 =	vsub.f32 $1.000000000e+00, v3  }
0xfe: {  	v11 =	vor.u32 $0x801, v1;
	v12 =	vld.idx.msk [tilespmem:v1+s17+$0x0], $0xffff  }
0xff: {  	v13 =	vor.u32 $0xC00, v1;
	v14 =	vsub.f32 $1.000000000e+00, v5;
	v4 =	vld.idx.msk [tilespmem:v4+s17+$0x0], $0xffff;
	v15 =	vmul.f32 v10, v9  }
0x100: {  	v16 =	vor.u32 $0xC01, v1;
	v6 =	vld.idx.msk [tilespmem:v6+s17+$0x0], $0xffff  }
0x101: {  	v17 =	vor.u32 $0x1000, v1;
	v18 =	vor.u32 $0x1001, v1;
	v7 =	vld.idx.msk [tilespmem:v7+s17+$0x0], $0xffff;
	v19 =	vmul.f32 v14, v15  }
0x102: {  	v20 =	vor.u32 $0x1400, v1;
	v21 =	vor.u32 $0x1401, v1;
	v9 =	vmul.f32 v3, v9;
	v8 =	vld.idx.msk [tilespmem:v8+s17+$0x0], $0xffff  }
0x103: {  	v22 =	vor.u32 $0x1800, v1;
	v11 =	vld.idx.msk [tilespmem:v11+s17+$0x0], $0xffff;
	v15 =	vmul.f32 v15, v5;
	v12 =	vmul.f32 v19, v12  }
0x104: {  	v23 =	vor.u32 $0x1801, v1;
	v24 =	vor.u32 $0x1C00, v1;
	v13 =	vld.idx.msk [tilespmem:v13+s17+$0x0], $0xffff;
	v4 =	vmul.f32 v19, v4  }
0x105: {  	v16 =	vld.idx.msk [tilespmem:v16+s17+$0x0], $0xffff;
	v46 =	vmul.f32 v14, v9;
	v6 =	vmul.f32 v6, v15;
	v12 =	vadd.f32 $0.0e+00, v12  }
0x106: {  	v10 =	vmul.f32 v10, v2;
	v17 =	vld.idx.msk [tilespmem:v17+s17+$0x0], $0xffff;
	v7 =	vmul.f32 v7, v15;
	v4 =	vadd.f32 $0.0e+00, v4  }
0x107: {  	v47 =	vld.idx.msk [tilespmem:v18+s17+$0x0], $0xffff;
	v9 =	vmul.f32 v5, v9;
	v8 =	vmul.f32 v8, v46;
	v6 =	vadd.f32 v6, v12  }
0x108: {  	v1 =	vor.u32 $0x1C01, v1;
	v48 =	vld.idx.msk [tilespmem:v20+s17+$0x0], $0xffff;
	v49 =	vmul.f32 v11, v46;
	v4 =	vadd.f32 v7, v4  }
0x109: {  	v51 =	vld.idx.msk [tilespmem:v21+s17+$0x0], $0xffff;
	v50 =	vmul.f32 v14, v10;
	v52 =	vmul.f32 v13, v9;
	v6 =	vadd.f32 v8, v6  }
0x10a: {  	v2 =	vmul.f32 v3, v2;
	v3 =	vld.idx.msk [tilespmem:v22+s17+$0x0], $0xffff;
	v53 =	vmul.f32 v16, v9;
	v4 =	vadd.f32 v49, v4  }
0x10b: {  	v55 =	vld.idx.msk [tilespmem:v23+s17+$0x0], $0xffff;
	v54 =	vmul.f32 v10, v5;
	v56 =	vmul.f32 v17, v50;
	v6 =	vadd.f32 v52, v6  }
0x10c: {  	v57 =	vld.idx.msk [tilespmem:v24+s17+$0x0], $0xffff;
	v58 =	vmul.f32 v47, v50;
	v4 =	vadd.f32 v53, v4  }
0x10d: {  	v60 =	vmul.f32 v14, v2;
	v1 =	vld.idx.msk [tilespmem:v1+s17+$0x0], $0xffff;
	v59 =	vmul.f32 v48, v54;
	v6 =	vadd.f32 v56, v6  }
0x10e: {  	v61 =	vmul.f32 v51, v54;
	v4 =	vadd.f32 v58, v4  }
0x10f: {  	v2 =	vmul.f32 v5, v2;
	v3 =	vmul.f32 v3, v60;
	v6 =	vadd.f32 v59, v6  }
0x110: {  	v5 =	vmul.f32 v55, v60;
	v4 =	vadd.f32 v61, v4  }
0x111: {  	v62 =	vmul.f32 v57, v2;
	v3 =	vadd.f32 v3, v6  }
0x112: {  	v1 =	vmul.f32 v1, v2;
	v4 =	vadd.f32 v5, v4  }
0x113: {  	v2 =	vadd.f32 v62, v3  }
0x114: {  	s6 =	sadd.s32 $0x10, s31;
	v1 =	vadd.f32 v1, v4  }
0x115: {  	[tilespmem:s6+$0xFFFFFE00] =	vst v2  }
0x116: {  	[tilespmem:s6+$0x0] =	vst v1  }
0x117: {  	s11 =	simm.s32 $0x0;
	_ =	swait.ge [sflag:s21], $0x2000  }
0x118: {  	v1 =	vmov s11;
	[sflag:s21] =	ssyncset.done $0x0  }
0x119: {  	s30 =	simm.s32 $0x1000;
	v1 =	vshll.u32 v1, $0x1;
	[sflag:s21] =	ssyncadd.s32 $0xFFFFE000  }
0x11a: {  	v1 =	vor.u32 v0, v1;
	v2 =	vld [tilespmem:s30+$0xFFFFFE00]  }
0x11b: {  	v4 =	vor.u32 $0x2000, v1;
	v3 =	vld [tilespmem:s30+$0xFFFFFC00]  }
0x11c: {  	v5 =	vor.u32 $0x2001, v1  }
0x11d: {  	v28 =	vor.u32 $0x2400, v1;
	v63 =	vld [tilespmem:s30+$0x0]  }
0x11e: {  	v29 =	vor.u32 $0x2401, v1  }
0x11f: {  	v30 =	vor.u32 $0x2800, v1  }
0x120: {  	v33 =	vor.u32 $0x2801, v1;
	v4 =	vld.idx.msk [tilespmem:v4+s17+$0x0], $0xffff;
	v31 =	vsub.f32 $1.000000000e+00, v3;
	v32 =	vsub.f32 $1.000000000e+00, v2  }
0x121: {  	v34 =	vor.u32 $0x2C00, v1;
	v5 =	vld.idx.msk [tilespmem:v5+s17+$0x0], $0xffff  }
0x122: {  	v37 =	vor.u32 $0x2C01, v1;
	v7 =	vld.idx.msk [tilespmem:v28+s17+$0x0], $0xffff;
	v35 =	vsub.f32 $1.000000000e+00, v63;
	v36 =	vmul.f32 v32, v31  }
0x123: {  	v38 =	vor.u32 $0x3000, v1;
	v8 =	vld.idx.msk [tilespmem:v29+s17+$0x0], $0xffff  }
0x124: {  	v39 =	vor.u32 $0x3001, v1;
	v41 =	vor.u32 $0x3400, v1;
	v9 =	vld.idx.msk [tilespmem:v30+s17+$0x0], $0xffff;
	v40 =	vmul.f32 v35, v36  }
0x125: {  	v42 =	vor.u32 $0x3401, v1;
	v12 =	vld.idx.msk [tilespmem:v33+s17+$0x0], $0xffff;
	v10 =	vmul.f32 v2, v31;
	v11 =	vmul.f32 v32, v3  }
0x126: {  	v43 =	vor.u32 $0x3800, v1;
	v13 =	vld.idx.msk [tilespmem:v34+s17+$0x0], $0xffff;
	v15 =	vmul.f32 v36, v63;
	v4 =	vmul.f32 v40, v4  }
0x127: {  	v44 =	vor.u32 $0x3801, v1;
	v16 =	vld.idx.msk [tilespmem:v37+s17+$0x0], $0xffff;
	v2 =	vmul.f32 v2, v3;
	v46 =	vmul.f32 v35, v10  }
0x128: {  	v47 =	vld.idx.msk [tilespmem:v38+s17+$0x0], $0xffff;
	v5 =	vmul.f32 v40, v5;
	v7 =	vmul.f32 v7, v15;
	v4 =	vadd.f32 $0.0e+00, v4  }
0x129: {  	v45 =	vor.u32 $0x3C00, v1;
	v48 =	vld.idx.msk [tilespmem:v39+s17+$0x0], $0xffff;
	v10 =	vmul.f32 v63, v10;
	v8 =	vmul.f32 v8, v15  }
0x12a: {  	v51 =	vld.idx.msk [tilespmem:v41+s17+$0x0], $0xffff;
	v49 =	vmul.f32 v9, v46;
	v5 =	vadd.f32 $0.0e+00, v5;
	v4 =	vadd.f32 v7, v4  }
0x12b: {  	v1 =	vor.u32 $0x3C01, v1;
	v53 =	vmul.f32 v35, v11;
	v50 =	vmul.f32 v12, v46  }
0x12c: {  	v52 =	vld.idx.msk [tilespmem:v42+s17+$0x0], $0xffff;
	v54 =	vmul.f32 v13, v10;
	v5 =	vadd.f32 v8, v5;
	v4 =	vadd.f32 v49, v4  }
0x12d: {  	v55 =	vld.idx.msk [tilespmem:v43+s17+$0x0], $0xffff;
	v56 =	vmul.f32 v11, v63;
	v3 =	vmul.f32 v16, v10  }
0x12e: {  	v57 =	vld.idx.msk [tilespmem:v44+s17+$0x0], $0xffff;
	v58 =	vmul.f32 v47, v53;
	v5 =	vadd.f32 v50, v5;
	v4 =	vadd.f32 v54, v4  }
0x12f: {  	v60 =	vld.idx.msk [tilespmem:v45+s17+$0x0], $0xffff;
	v59 =	vmul.f32 v48, v53;
	v61 =	vmul.f32 v51, v56  }
0x130: {  	v3 =	vadd.f32 v3, v5;
	v5 =	vmul.f32 v35, v2;
	v4 =	vadd.f32 v58, v4  }
0x131: {  	v1 =	vld.idx.msk [tilespmem:v1+s17+$0x0], $0xffff;
	v8 =	vmul.f32 v52, v56;
	v2 =	vmul.f32 v63, v2  }
0x132: {  	v3 =	vadd.f32 v59, v3;
	v62 =	vmul.f32 v55, v5;
	v4 =	vadd.f32 v61, v4  }
0x133: {  	v5 =	vmul.f32 v57, v5  }
0x134: {  	v63 =	vmul.f32 v60, v2;
	v3 =	vadd.f32 v8, v3;
	v4 =	vadd.f32 v62, v4  }
0x135: {  	s0 =	simm.s32 $0x10  }
0x136: {  	s31 =	smov.u32 s28;
	s2 =	smov.u32 s28;
	s11 =	simm.s32 $0x20;
	v2 =	vmul.f32 v1, v2;
	v3 =	vadd.f32 v5, v3;
	v1 =	vadd.f32 v63, v4  }
.LBB2_10:
0x137: {  	s31 =	sadd.s32 $0x10, s31  }
0x138: {  	v4 =	vmov s0;
	v2 =	vadd.f32 v2, v3;
	s30 =	sadd.s32 $0x10, s30;
	s0 =	smov.u32 s11;
	s6 =	sadd.s32 $0x10, s11  }
0x139: {  	p0 =	sne.s32 s11, $0x1F0;
	v3 =	vshll.u32 v4, $0x1;
	[tilespmem:s2+$0xFFFFFE00] =	vst v1  }
0x13a: {  	v1 =	vor.u32 v0, v3;
	[tilespmem:s2+$0x0] =	vst v2;
	s2 =	smov.u32 s31  }
0x13b: {  	v2 =	vld [tilespmem:s30+$0xFFFFFE00];
	v3 =	vor.u32 $0x2000, v1;
	v4 =	vor.u32 $0x2001, v1;
	v5 =	vor.u32 $0x2400, v1  }
0x13c: {  	v7 =	vor.u32 $0x2401, v1;
	v8 =	vor.u32 $0x2800, v1;
	v9 =	vor.u32 $0x2801, v1;
	v6 =	vld [tilespmem:s30+$0xFFFFFC00]  }
0x13d: {  	v10 =	vor.u32 $0x2C00, v1;
	v11 =	vor.u32 $0x2C01, v1;
	v12 =	vor.u32 $0x3000, v1  }
0x13e: {  	v14 =	vor.u32 $0x3001, v1;
	v15 =	vor.u32 $0x3400, v1;
	v16 =	vor.u32 $0x3401, v1;
	v13 =	vld [tilespmem:s30+$0x0]  }
0x13f: {  	v17 =	vor.u32 $0x3800, v1;
	v18 =	vor.u32 $0x3801, v1;
	v19 =	vor.u32 $0x3C00, v1  }
0x140: {  	v1 =	vor.u32 $0x3C01, v1;
	v3 =	vld.idx.msk [tilespmem:v3+s17+$0x0], $0xffff  }
0x141: {  	v21 =	vsub.f32 $1.000000000e+00, v2;
	v20 =	vsub.f32 $1.000000000e+00, v6;
	v22 =	vmul.f32 v2, v6;
	v7 =	vld.idx.msk [tilespmem:v7+s17+$0x0], $0xffff  }
0x142: {  	v4 =	vld.idx.msk [tilespmem:v4+s17+$0x0], $0xffff  }
0x143: {  	v23 =	vsub.f32 $1.000000000e+00, v13;
	v24 =	vmul.f32 v21, v20;
	v2 =	vmul.f32 v2, v20;
	v5 =	vld.idx.msk [tilespmem:v5+s17+$0x0], $0xffff  }
0x144: {  	v6 =	vmul.f32 v21, v6;
	v9 =	vld.idx.msk [tilespmem:v9+s17+$0x0], $0xffff  }
0x145: {  	v20 =	vmul.f32 v23, v24;
	v21 =	vmul.f32 v24, v13;
	v8 =	vld.idx.msk [tilespmem:v8+s17+$0x0], $0xffff  }
0x146: {  	v24 =	vmul.f32 v23, v2;
	v2 =	vmul.f32 v13, v2;
	v11 =	vld.idx.msk [tilespmem:v11+s17+$0x0], $0xffff  }
0x147: {  	v3 =	vmul.f32 v20, v3;
	v7 =	vmul.f32 v7, v21;
	v10 =	vld.idx.msk [tilespmem:v10+s17+$0x0], $0xffff  }
0x148: {  	v4 =	vmul.f32 v20, v4;
	v20 =	vmul.f32 v6, v13;
	v14 =	vld.idx.msk [tilespmem:v14+s17+$0x0], $0xffff  }
0x149: {  	v5 =	vmul.f32 v5, v21;
	v21 =	vmul.f32 v23, v22;
	v3 =	vadd.f32 $0.0e+00, v3;
	v12 =	vld.idx.msk [tilespmem:v12+s17+$0x0], $0xffff  }
0x14a: {  	v4 =	vadd.f32 $0.0e+00, v4;
	v16 =	vld.idx.msk [tilespmem:v16+s17+$0x0], $0xffff  }
0x14b: {  	v3 =	vadd.f32 v5, v3;
	v5 =	vmul.f32 v8, v24;
	v8 =	vmul.f32 v9, v24;
	v9 =	vld.idx.msk [tilespmem:v15+s17+$0x0], $0xffff  }
0x14c: {  	v6 =	vmul.f32 v23, v6;
	v4 =	vadd.f32 v7, v4;
	v7 =	vld.idx.msk [tilespmem:v18+s17+$0x0], $0xffff  }
0x14d: {  	v3 =	vadd.f32 v5, v3;
	v5 =	vmul.f32 v10, v2;
	v2 =	vmul.f32 v11, v2;
	v10 =	vld.idx.msk [tilespmem:v17+s17+$0x0], $0xffff  }
0x14e: {  	v4 =	vadd.f32 v8, v4;
	v1 =	vld.idx.msk [tilespmem:v1+s17+$0x0], $0xffff  }
0x14f: {  	v3 =	vadd.f32 v5, v3;
	v5 =	vmul.f32 v12, v6;
	v6 =	vmul.f32 v14, v6;
	v8 =	vld.idx.msk [tilespmem:v19+s17+$0x0], $0xffff  }
0x150: {  	v2 =	vadd.f32 v2, v4  }
0x151: {  	v4 =	vmul.f32 v9, v20;
	v3 =	vadd.f32 v5, v3;
	v5 =	vmul.f32 v16, v20  }
0x152: {  	v2 =	vadd.f32 v6, v2;
	v6 =	vmul.f32 v13, v22  }
.Ltmp3:
0x153: {  	v7 =	vmul.f32 v7, v21;
	v3 =	vadd.f32 v4, v3;
	v4 =	vmul.f32 v10, v21;
	(pc) =	sbr.rel @p0 .LBB2_10-.Ltmp3, $4  }
0x154: {  	v5 =	vadd.f32 v5, v2  }
0x155: {  	v2 =	vmul.f32 v1, v6;
	v8 =	vmul.f32 v8, v6;
	v4 =	vadd.f32 v4, v3  }
0x156: {  	v3 =	vadd.f32 v7, v5  }
0x157: {  	s11 =	smov.u32 s6;
	v1 =	vadd.f32 v8, v4  }
0x158: {  	v2 =	vadd.f32 v2, v3  }
0x159: {  	[tilespmem:s2+$0xFFFFFE00] =	vst v1  }
0x15a: {  	s30 =	sadd.s32 $0x10, s30;
	v1 =	vmov s0;
	[tilespmem:s2+$0x0] =	vst v2  }
0x15b: {  	v1 =	vshll.u32 v1, $0x1;
	v2 =	vld [tilespmem:s30+$0xFFFFFE00]  }
0x15c: {  	v1 =	vor.u32 v0, v1;
	v3 =	vld [tilespmem:s30+$0xFFFFFC00]  }
0x15d: {  	v4 =	vor.u32 $0x2000, v1  }
0x15e: {  	v6 =	vld [tilespmem:s30+$0x0];
	v5 =	vor.u32 $0x2001, v1  }
0x15f: {  	v7 =	vor.u32 $0x2400, v1  }
0x160: {  	v8 =	vor.u32 $0x2401, v1  }
0x161: {  	v9 =	vor.u32 $0x2800, v1;
	v10 =	vsub.f32 $1.000000000e+00, v3;
	v11 =	vsub.f32 $1.000000000e+00, v2  }
0x162: {  	v12 =	vor.u32 $0x2801, v1;
	v4 =	vld.idx.msk [tilespmem:v4+s17+$0x0], $0xffff  }
0x163: {  	v13 =	vor.u32 $0x2C00, v1;
	v14 =	vsub.f32 $1.000000000e+00, v6;
	v5 =	vld.idx.msk [tilespmem:v5+s17+$0x0], $0xffff;
	v15 =	vmul.f32 v11, v10  }
0x164: {  	v16 =	vor.u32 $0x2C01, v1;
	v7 =	vld.idx.msk [tilespmem:v7+s17+$0x0], $0xffff  }
0x165: {  	v17 =	vor.u32 $0x3000, v1;
	v18 =	vor.u32 $0x3001, v1;
	v8 =	vld.idx.msk [tilespmem:v8+s17+$0x0], $0xffff;
	v19 =	vmul.f32 v14, v15  }
0x166: {  	v20 =	vor.u32 $0x3400, v1;
	v21 =	vor.u32 $0x3401, v1;
	v9 =	vld.idx.msk [tilespmem:v9+s17+$0x0], $0xffff;
	v10 =	vmul.f32 v2, v10  }
0x167: {  	v22 =	vor.u32 $0x3800, v1;
	v12 =	vld.idx.msk [tilespmem:v12+s17+$0x0], $0xffff;
	v15 =	vmul.f32 v15, v6;
	v4 =	vmul.f32 v19, v4  }
0x168: {  	v23 =	vor.u32 $0x3801, v1;
	v24 =	vor.u32 $0x3C00, v1;
	v13 =	vld.idx.msk [tilespmem:v13+s17+$0x0], $0xffff;
	v5 =	vmul.f32 v19, v5  }
0x169: {  	v16 =	vld.idx.msk [tilespmem:v16+s17+$0x0], $0xffff;
	v45 =	vmul.f32 v14, v10;
	v7 =	vmul.f32 v7, v15;
	v4 =	vadd.f32 $0.0e+00, v4  }
0x16a: {  	v46 =	vld.idx.msk [tilespmem:v17+s17+$0x0], $0xffff;
	v11 =	vmul.f32 v11, v3;
	v8 =	vmul.f32 v8, v15;
	v5 =	vadd.f32 $0.0e+00, v5  }
0x16b: {  	v47 =	vld.idx.msk [tilespmem:v18+s17+$0x0], $0xffff;
	v10 =	vmul.f32 v6, v10;
	v48 =	vmul.f32 v9, v45;
	v4 =	vadd.f32 v7, v4  }
0x16c: {  	v1 =	vor.u32 $0x3C01, v1;
	v50 =	vld.idx.msk [tilespmem:v20+s17+$0x0], $0xffff;
	v49 =	vmul.f32 v12, v45;
	v5 =	vadd.f32 v8, v5  }
0x16d: {  	v51 =	vld.idx.msk [tilespmem:v21+s17+$0x0], $0xffff;
	v52 =	vmul.f32 v14, v11;
	v53 =	vmul.f32 v13, v10;
	v4 =	vadd.f32 v48, v4  }
0x16e: {  	v54 =	vld.idx.msk [tilespmem:v22+s17+$0x0], $0xffff;
	v2 =	vmul.f32 v2, v3;
	v3 =	vmul.f32 v16, v10;
	v5 =	vadd.f32 v49, v5  }
0x16f: {  	v56 =	vld.idx.msk [tilespmem:v23+s17+$0x0], $0xffff;
	v55 =	vmul.f32 v11, v6;
	v57 =	vmul.f32 v46, v52;
	v4 =	vadd.f32 v53, v4  }
0x170: {  	v59 =	vld.idx.msk [tilespmem:v24+s17+$0x0], $0xffff;
	v58 =	vmul.f32 v47, v52;
	v3 =	vadd.f32 v3, v5  }
0x171: {  	v1 =	vld.idx.msk [tilespmem:v1+s17+$0x0], $0xffff;
	v60 =	vmul.f32 v14, v2;
	v61 =	vmul.f32 v50, v55;
	v4 =	vadd.f32 v57, v4  }
0x172: {  	v8 =	vmul.f32 v51, v55;
	v3 =	vadd.f32 v58, v3  }
0x173: {  	v2 =	vmul.f32 v6, v2;
	v62 =	vmul.f32 v54, v60;
	v4 =	vadd.f32 v61, v4  }
0x174: {  	s29 =	sadd.s32 $0x1, s29;
	v5 =	vmul.f32 v56, v60;
	v3 =	vadd.f32 v8, v3  }
0x175: {  	p0 =	sne.s32 s29, $0x8;
	v63 =	vmul.f32 v59, v2;
	v4 =	vadd.f32 v62, v4  }
.Ltmp4:
0x176: {  	v1 =	vmul.f32 v1, v2;
	v2 =	vadd.f32 v5, v3;
	(pc) =	sbr.rel @p0 .LBB2_3-.Ltmp4, $4  }
0x177: {  	v3 =	vadd.f32 v63, v4  }
0x178: {  	s31 =	sadd.s32 $0x10, s31;
	v1 =	vadd.f32 v1, v2  }
0x179: {  	[tilespmem:s31+$0xFFFFFE00] =	vst v3  }
0x17a: {  	s26 =	sadd.s32 $0x800, s26;
	s28 =	sadd.s32 $0x800, s28;
	[tilespmem:s31+$0x0] =	vst v1  }
0x17b: {  	s0 =	simm.s32 $0x9200  }
0x17c: {  	[hbm4b:s23+s3] =	stream.linear.scatter [tilespmem:s0], [sflag:$0x3], $0x200, $0x38;
	[tilespmem:$0xD400] =	vst v63  }
0x17d: {  	s2 =	smov.u32 s23;
	s0 =	simm.s32 $0x800;
	_ =	swait.ge [sflag:s12], $0x200  }
.LBB2_13:
0x17e: {  	s6 =	sshra.s32 s0, $0x2  }
0x17f: {  	[sflag:s12] =	ssyncset.done $0x0;
	s2 =	sadd.s32 $0x4000, s2;
	p0 =	sne.s32 s0, $0xF800  }
.Ltmp5:
0x180: {  	s6 =	sadd.s32 $0x9200, s6;
	[sflag:s12] =	ssyncadd.s32 $0xFFFFFE00;
	(pc) =	sbr.rel @p0 .LBB2_13-.Ltmp5, $3  }
0x181: {  	[hbm4b:s2+s3] =	stream.linear.scatter [tilespmem:s6], [sflag:$0x3], $0x200, $0x38;
	[tilespmem:$0xD400] =	vst v63  }
0x182: {  	s0 =	sadd.s32 $0x800, s0;
	_ =	sdelay $0x1  }
0x183: {  	_ =	swait.ge [sflag:s12], $0x200  }
0x184: {  	s24 =	sadd.s32 $0x1, s24  }
0x185: {  	p0 =	sne.s32 s24, $0x8  }
.Ltmp6:
0x186: {  	_ = 	snop;
	(pc) =	sbr.rel @p0 .LBB2_2-.Ltmp6, $3  }
0x187: {  	_ =	sdelay $0x1  }
0x188: {  	[sflag:s12] =	ssyncset.done $0x0  }
0x189: {  	s23 =	sadd.s32 $0x40, s23;
	[sflag:s12] =	ssyncadd.s32 $0xFFFFFE00  }
0x18a: {  	s22 =	sadd.s32 $0x1, s22  }
0x18b: {  	p0 =	sne.s32 s22, s9  }
.Ltmp7:
0x18c: {  	_ = 	snop;
	(pc) =	sbr.rel @p0 .LBB2_1-.Ltmp7, $1  }
0x18d: {  	_ =	sdelay $0x3  }
0x18e: {  	_ =	sfence.sel $0x180000  }
0x18f: {  	[bflag:$0x0] =	sbarrier.arrive $0xFFFF  }
0x190: {  	_ =	strace $0x90000047  }
0x191: {  	s0 =	stileid.u32;
	[bflag:$0x2] =	sbarrier.arrive $0xFFFF  }
0x192: {  	p0 =	sne.s32 s0, $0x0;
	s0 =	rddreg [dreg:$0x2]  }
0x193: {  	s0 =	sadd.s32 @!p0 $0x100000, s0  }
0x194: {  	[sflag:s0] =	ssyncadd.tile.s32 @!p0 $0x1;
	_ =	shalt  }
.Lfunc_end2:
_tile_overlayer_lowered:
.L_overlay_start_2:
0x195: {  	(tag) =	ssettag $0x2  }
0x196: {  	s0 =	rddreg [dreg:$0x0];
	s2 =	stileid.u32  }
0x197: {  	s1 =	rddreg [dreg:$0x1];
	p0 =	sne.s32 s2, $0x0  }
0x198: {  	s3 =	rddreg [dreg:$0x2];
	[bflag:$0x3] =	sbarrier.arrive $0xFFFF;
	s2 =	simm.s32 @!p0 $0x1C03  }
0x199: {  	[timem:s3], [sflag:s2] =	dma.local @!p0 [hbm:s0], s1  }
0x19a: {  	s0 =	simm.s32 @!p0 $0x3  }
0x19b: {  	_ =	swait.ge @!p0 [sflag:s0], s1  }
0x19c: {  	s1 =	ssub.s32 @!p0 $0x0, s1;
	[sflag:s0] =	ssyncset.done @!p0 $0x0  }
0x19d: {  	[sflag:s0] =	ssyncadd.s32 @!p0 s1  }
0x19e: {  	[bflag:$0x3] =	sbarrier.arrive $0xFFFF  }
0x19f: {  	_ =	shalt  }

</sc_bundles>
